<compile_context>
chip_gen: v7x
topology: tpu7x:2x2x1
jax: 0.10.2.dev20260603
libtpu: 0.0.44.dev20260713+nightly
codegen_flags: <defaults>
</compile_context>

<pallas_src>
import functools

import jax
import jax.numpy as jnp
from jax import lax
from jax.experimental import pallas as pl
from jax.experimental.pallas import tpu as pltpu
from jax.experimental.pallas import tpu_sc as plsc

B = 16384
ID_DIM = 21
CC_DIM = 18
PC_DIM = 7
PC_SIZE = 129

NC = 2
NS = 16
NW = NC * NS
BPW = B // NW
HALF = BPW // 2

FLAT_ROWS = 4096
LOG2BLK = 12


def _flatten_body(x, out):
    out[...] = x[...].T.reshape(out.shape)


def _flatten(tab):
    v, d = tab.shape
    nblk = (v + FLAT_ROWS - 1) // FLAT_ROWS
    return pl.pallas_call(
        _flatten_body,
        grid=(nblk,),
        in_specs=[pl.BlockSpec((FLAT_ROWS, d), lambda i: (i, 0))],
        out_specs=pl.BlockSpec((FLAT_ROWS * d,), lambda i: (i,)),
        out_shape=jax.ShapeDtypeStruct((nblk * FLAT_ROWS * d,), jnp.float32),
    )(tab)


def _sc_gather_id(id_idx, E_id):
    mesh = plsc.VectorSubcoreMesh(core_axis_name="c", subcore_axis_name="s")

    @functools.partial(
        pl.kernel,
        mesh=mesh,
        out_type=jax.ShapeDtypeStruct((B, ID_DIM), jnp.float32),
        scratch_types=[
            pltpu.VMEM((BPW,), jnp.int32),
            pltpu.VMEM((HALF, ID_DIM), jnp.float32),
            pltpu.SemaphoreType.DMA,
        ],
    )
    def k(id_hbm, eid_hbm, out_id, idx_id, rows_id, sem):
        wid = lax.axis_index("s") * NC + lax.axis_index("c")
        base = wid * BPW
        pltpu.sync_copy(id_hbm.at[wid], idx_id)
        for h in range(2):
            off = h * HALF

            def fire(g, carry):
                vi = idx_id[pl.ds(off + g * 16, 16)]
                for j in range(16):
                    pltpu.async_copy(eid_hbm.at[pl.ds(vi[j], 1)],
                                     rows_id.at[pl.ds(g * 16 + j, 1)], sem)
                return carry

            lax.fori_loop(0, HALF // 16, fire, 0)
            pltpu.make_async_copy(
                out_id.at[pl.ds(0, HALF)], rows_id, sem).wait()
            pltpu.sync_copy(rows_id, out_id.at[pl.ds(base + off, HALF)])

    return k(id_idx, E_id)


def _sc_gather_cc(cc_idx, flat_cc_tab):
    mesh = plsc.VectorSubcoreMesh(core_axis_name="c", subcore_axis_name="s")

    @functools.partial(
        pl.kernel,
        mesh=mesh,
        out_type=jax.ShapeDtypeStruct((NW, CC_DIM * BPW), jnp.float32),
        scratch_types=[
            pltpu.VMEM((BPW,), jnp.int32),
            pltpu.VMEM((CC_DIM * BPW,), jnp.int32),
            pltpu.VMEM((CC_DIM * BPW,), jnp.float32),
            pltpu.SemaphoreType.DMA,
        ],
    )
    def k(cc_hbm, flat_cc, out_ccT, idx_cc, idxp_cc, rowsT_cc, sem):
        wid = lax.axis_index("s") * NC + lax.axis_index("c")
        pltpu.sync_copy(cc_hbm.at[wid], idx_cc)

        def build(c, carry):
            vc = idx_cc[pl.ds(c * 16, 16)]
            bc = ((vc >> LOG2BLK) * (FLAT_ROWS * CC_DIM)
                  + (vc & (FLAT_ROWS - 1)))
            for j in range(CC_DIM):
                idxp_cc[pl.ds(j * BPW + c * 16, 16)] = bc + (j * FLAT_ROWS)
            return carry

        lax.fori_loop(0, BPW // 16, build, 0)
        pltpu.async_copy(flat_cc.at[idxp_cc], rowsT_cc, sem).wait()
        pltpu.sync_copy(rowsT_cc, out_ccT.at[wid])

    return k(cc_idx, flat_cc_tab)


MLP_BLOCK = 2048


def _mlp_body(ide, cct, pc, dns, epc, w1a, w1b, w1c, w1d, b1, w2, b2, w3, b3,
              out):
    dot = functools.partial(jnp.dot, preferred_element_type=jnp.float32)
    dotT = lambda x, w: lax.dot_general(
        x, w, (((0,), (0,)), ((), ())), preferred_element_type=jnp.float32)
    iota = lax.broadcasted_iota(jnp.int32, (MLP_BLOCK, PC_SIZE), 1)
    onehot = (iota == pc[...]).astype(jnp.float32)
    pce = dot(onehot, epc[...])
    h = (dot(ide[...], w1a[...]) + dotT(cct[...], w1b[...])
         + dot(pce, w1c[...]) + dot(dns[...], w1d[...]) + b1[...])
    h = jnp.maximum(h, 0.0)
    h = jnp.maximum(dot(h, w2[...]) + b2[...], 0.0)
    z = dot(h, w3[...]) + b3[...]
    out[...] = 1.0 / (1.0 + jnp.exp(-z))


def _mlp(ide, cct, pc, dns, E_pc, W1, b1, W2, b2, W3, b3):
    w1a = W1[:ID_DIM]
    w1b = W1[ID_DIM:ID_DIM + CC_DIM]
    w1c = W1[ID_DIM + CC_DIM:ID_DIM + CC_DIM + PC_DIM]
    w1d = W1[ID_DIM + CC_DIM + PC_DIM:]
    grid = (B // MLP_BLOCK,)
    col_spec = lambda d: pl.BlockSpec((d, MLP_BLOCK), lambda i: (0, i))
    row_spec = lambda d: pl.BlockSpec((MLP_BLOCK, d), lambda i: (i, 0))
    full = lambda a: pl.BlockSpec(a.shape, lambda i: (0,) * a.ndim)
    return pl.pallas_call(
        _mlp_body,
        grid=grid,
        in_specs=[
            row_spec(ID_DIM), col_spec(CC_DIM), row_spec(1),
            row_spec(dns.shape[1]),
            full(E_pc),
            full(w1a), full(w1b), full(w1c), full(w1d), full(b1),
            full(W2), full(b2), full(W3), full(b3),
        ],
        out_specs=pl.BlockSpec((MLP_BLOCK, 1), lambda i: (i, 0)),
        out_shape=jax.ShapeDtypeStruct((B, 1), jnp.float32),
    )(ide, cct, pc, dns, E_pc, w1a, w1b, w1c, w1d, b1, W2, b2, W3, b3)


def kernel(id_input, core_cust_id_input, prod_code_input, dense_input,
           E_id, E_cc, E_pc, W1, b1, W2, b2, W3, b3):
    id_idx = jnp.reshape(id_input.astype(jnp.int32), (NW, BPW))
    cc_idx = jnp.reshape(core_cust_id_input.astype(jnp.int32), (NW, BPW))
    ide = _sc_gather_id(id_idx, E_id)
    cct3 = _sc_gather_cc(cc_idx, _flatten(E_cc))
    cct = cct3.reshape(NW, CC_DIM, BPW).transpose(1, 0, 2).reshape(CC_DIM, B)
    pc = prod_code_input.astype(jnp.int32).reshape(B, 1)
    return _mlp(ide, cct, pc, dense_input, E_pc,
                W1, b1.reshape(1, -1), W2, b2.reshape(1, -1),
                W3, b3.reshape(1, 1))

# --- scband reference (transcript-rebuilt; emitter-appended) ---
"""Pipeline reference for scband-cls-module-46076409151503 (READ-ONLY COPY).

The authoritative reference and input builder live on the scoring server;
editing this copy changes nothing except your own understanding.
"""

import jax, jax.numpy as jnp
import numpy as np

B = 16384
ID_SIZE = 2953495
CC_SIZE = 264055
PC_SIZE = 129
ID_DIM = 21
CC_DIM = 18
PC_DIM = 7
DENSE_DIM = 13
DIN = ID_DIM + CC_DIM + PC_DIM + DENSE_DIM  # 59
H0, H1 = 256, 128


def setup_inputs(seed: int = 0) -> dict:
    key = jax.random.key(seed)
    ks = jax.random.split(key, 12)
    id_input = jax.random.randint(ks[0], (B,), 0, ID_SIZE, dtype=jnp.int64 if jax.config.jax_enable_x64 else jnp.int32)
    core_cust_id_input = jax.random.randint(ks[1], (B,), 0, CC_SIZE)
    prod_code_input = jax.random.randint(ks[2], (B,), 0, PC_SIZE)
    dense_input = jax.random.normal(ks[3], (B, DENSE_DIM), dtype=jnp.float32)
    E_id = jax.random.normal(ks[4], (ID_SIZE, ID_DIM), dtype=jnp.float32) * 0.05
    E_cc = jax.random.normal(ks[5], (CC_SIZE, CC_DIM), dtype=jnp.float32) * 0.05
    E_pc = jax.random.normal(ks[6], (PC_SIZE, PC_DIM), dtype=jnp.float32) * 0.05
    W1 = jax.random.normal(ks[7], (DIN, H0), dtype=jnp.float32) * (1.0 / np.sqrt(DIN))
    b1 = jnp.zeros((H0,), dtype=jnp.float32)
    W2 = jax.random.normal(ks[8], (H0, H1), dtype=jnp.float32) * (1.0 / np.sqrt(H0))
    b2 = jnp.zeros((H1,), dtype=jnp.float32)
    W3 = jax.random.normal(ks[9], (H1, 1), dtype=jnp.float32) * (1.0 / np.sqrt(H1))
    b3 = jnp.zeros((1,), dtype=jnp.float32)
    return {
        'id_input': id_input,
        'core_cust_id_input': core_cust_id_input,
        'prod_code_input': prod_code_input,
        'dense_input': dense_input,
        'E_id': E_id, 'E_cc': E_cc, 'E_pc': E_pc,
        'W1': W1, 'b1': b1, 'W2': W2, 'b2': b2, 'W3': W3, 'b3': b3,
    }


def reference(id_input, core_cust_id_input, prod_code_input, dense_input,
              E_id, E_cc, E_pc, W1, b1, W2, b2, W3, b3):
    id_embed = jnp.take(E_id, id_input, axis=0)
    cc_embed = jnp.take(E_cc, core_cust_id_input, axis=0)
    pc_embed = jnp.take(E_pc, prod_code_input, axis=0)
    dnn_input = jnp.concatenate([id_embed, cc_embed, pc_embed, dense_input], axis=1)
    h = jax.nn.relu(dnn_input @ W1 + b1)
    h = jax.nn.relu(h @ W2 + b2)
    out = jax.nn.sigmoid(h @ W3 + b3)
    return out

if __name__ == "__main__":
    import jax
    _d = setup_inputs()
    print(jax.jit(kernel)(*tuple(_d.values())))

</pallas_src>

<mosaic_0001>
#map = affine_map<(d0, d1) -> (0, 0)>
module attributes {stable_mosaic.version = 14 : i64} {
  func.func @k(%arg0: i32, %arg1: i32, %arg2: memref<32x512xi32, #tpu.memory_space<hbm>>, %arg3: memref<2953495x21xf32, #tpu.memory_space<hbm>>, %arg4: memref<16384x21xf32, #tpu.memory_space<hbm>>, %arg5: memref<512xi32, #tpu.memory_space<vmem>>, %arg6: memref<256x21xf32, #tpu.memory_space<vmem>>, %arg7: memref<!tpu.dma_semaphore, #tpu.memory_space<semaphore_mem>>) attributes {dimension_semantics = [#tpu.dimension_semantics<core_parallel>, #tpu.dimension_semantics<subcore_parallel>], iteration_bounds = array<i64: 2, 16>, scalar_prefetch = 0 : i64, scratch_operands = 3 : i64, tpu.core_type = #tpu.core_type<sc_vector_subcore>, window_params = [{transform_indices = #map}, {transform_indices = #map}, {transform_indices = #map}]} {
    %mul3A = arith.constant 2 : i32
    %mul3A_0 = arith.muli %arg1, %mul3A : i32
    %add3A = arith.addi %mul3A_0, %arg0 : i32
    %mul3A_1 = arith.constant 512 : i32
    %mul3A_2 = arith.muli %add3A, %mul3A_1 : i32
    "tpu.region"() ({
      %run_scoped3A = tpu.sem_alloc : memref<!tpu.dma_semaphore, #tpu.memory_space<semaphore_mem>>
      %dma_start3A = arith.constant 0 : i32
      %dma_start3A_29 = tpu.memref_slice %arg2[%add3A, %dma_start3A] : memref<32x512xi32, #tpu.memory_space<hbm>> -> memref<1x512xi32, #tpu.memory_space<hbm>>
      %dma_start3A_30 = tpu.memref_squeeze %dma_start3A_29 : memref<1x512xi32, #tpu.memory_space<hbm>> -> memref<512xi32, #tpu.memory_space<hbm>>
      %dma_start3A_31 = arith.constant 0 : i32
      %dma_start3A_32 = tpu.memref_slice %arg2[%add3A, %dma_start3A_31] : memref<32x512xi32, #tpu.memory_space<hbm>> -> memref<1x512xi32, #tpu.memory_space<hbm>>
      %dma_start3A_33 = tpu.memref_squeeze %dma_start3A_32 : memref<1x512xi32, #tpu.memory_space<hbm>> -> memref<512xi32, #tpu.memory_space<hbm>>
      tpu.enqueue_dma source(%dma_start3A_33 : memref<512xi32, #tpu.memory_space<hbm>>) target(%arg5 : memref<512xi32, #tpu.memory_space<vmem>>) target_semaphore(%run_scoped3A : memref<!tpu.dma_semaphore, #tpu.memory_space<semaphore_mem>>)
      %dma_wait3A_34 = arith.constant 0 : i32
      %dma_wait3A_35 = tpu.memref_slice %arg2[%add3A, %dma_wait3A_34] : memref<32x512xi32, #tpu.memory_space<hbm>> -> memref<1x512xi32, #tpu.memory_space<hbm>>
      %dma_wait3A_36 = tpu.memref_squeeze %dma_wait3A_35 : memref<1x512xi32, #tpu.memory_space<hbm>> -> memref<512xi32, #tpu.memory_space<hbm>>
      %dma_wait3A_37 = arith.constant 0 : i32
      %dma_wait3A_38 = tpu.memref_slice %arg2[%add3A, %dma_wait3A_37] : memref<32x512xi32, #tpu.memory_space<hbm>> -> memref<1x512xi32, #tpu.memory_space<hbm>>
      %dma_wait3A_39 = tpu.memref_squeeze %dma_wait3A_38 : memref<1x512xi32, #tpu.memory_space<hbm>> -> memref<512xi32, #tpu.memory_space<hbm>>
      tpu.wait_dma2 semaphore(%run_scoped3A : memref<!tpu.dma_semaphore, #tpu.memory_space<semaphore_mem>>) src(%dma_wait3A_39 : memref<512xi32, #tpu.memory_space<hbm>>) dst(%arg5 : memref<512xi32, #tpu.memory_space<vmem>>)
      tpu.yield
    }) : () -> ()
    %scan3A = arith.constant 0 : i32
    %scan3A_3 = arith.constant 0 : i32
    %scan3A_4 = arith.constant 16 : i32
    %scan3A_5 = arith.addi %scan3A_3, %scan3A_4 : i32
    %scan3A_6 = arith.constant 1 : i32
    scf.for %scan3A_29 = %scan3A_3 to %scan3A_5 step %scan3A_6  : i32 {
      %mul3A_30 = arith.constant 16 : i32
      %mul3A_31 = arith.muli %scan3A_29, %mul3A_30 : i32
      %add3A_32 = arith.constant 0 : i32
      %add3A_33 = arith.addi %add3A_32, %mul3A_31 : i32
      %get3A = arith.index_cast %add3A_33 : i32 to index
      %get3A_34 = tpu.vector_load %arg5[%get3A] {strides = array<i32>} : memref<512xi32, #tpu.memory_space<vmem>>, vector<16xi32>,
      %get3A_35 = vector.shape_cast %get3A_34 : vector<16xi32> to vector<16xi32>
      %slice3A = vector.extract_strided_slice %get3A_35 {offsets = [0], sizes = [1], strides = [1]} : vector<16xi32> to vector<1xi32>
      %squeeze3A = vector.extract %slice3A[0] : i32 from vector<1xi32>
      %mul3A_36 = arith.constant 16 : i32
      %mul3A_37 = arith.muli %scan3A_29, %mul3A_36 : i32
      %add3A_38 = arith.constant 0 : i32
      %add3A_39 = arith.addi %mul3A_37, %add3A_38 : i32
      %dma_start3A = arith.constant 0 : i32
      %dma_start3A_40 = tpu.memref_slice %arg6[%add3A_39, %dma_start3A] : memref<256x21xf32, #tpu.memory_space<vmem>> -> memref<1x21xf32, #tpu.memory_space<vmem>>
      %dma_start3A_41 = arith.constant 0 : i32
      %dma_start3A_42 = tpu.memref_slice %arg3[%squeeze3A, %dma_start3A_41] : memref<2953495x21xf32, #tpu.memory_space<hbm>> -> memref<1x21xf32, #tpu.memory_space<hbm>>
      %dma_start3A_43 = arith.constant 0 : i32
      %dma_start3A_44 = tpu.memref_slice %arg6[%add3A_39, %dma_start3A_43] : memref<256x21xf32, #tpu.memory_space<vmem>> -> memref<1x21xf32, #tpu.memory_space<vmem>>
      %dma_start3A_45 = arith.constant 0 : i32
      %dma_start3A_46 = tpu.memref_slice %arg3[%squeeze3A, %dma_start3A_45] : memref<2953495x21xf32, #tpu.memory_space<hbm>> -> memref<1x21xf32, #tpu.memory_space<hbm>>
      tpu.enqueue_dma source(%dma_start3A_46 : memref<1x21xf32, #tpu.memory_space<hbm>>) target(%dma_start3A_44 : memref<1x21xf32, #tpu.memory_space<vmem>>) target_semaphore(%arg7 : memref<!tpu.dma_semaphore, #tpu.memory_space<semaphore_mem>>)
      %slice3A_47 = vector.extract_strided_slice %get3A_35 {offsets = [1], sizes = [1], strides = [1]} : vector<16xi32> to vector<1xi32>
      %squeeze3A_48 = vector.extract %slice3A_47[0] : i32 from vector<1xi32>
      %mul3A_49 = arith.constant 16 : i32
      %mul3A_50 = arith.muli %scan3A_29, %mul3A_49 : i32
      %add3A_51 = arith.constant 1 : i32
      %add3A_52 = arith.addi %mul3A_50, %add3A_51 : i32
      %dma_start3A_53 = arith.constant 0 : i32
      %dma_start3A_54 = tpu.memref_slice %arg6[%add3A_52, %dma_start3A_53] : memref<256x21xf32, #tpu.memory_space<vmem>> -> memref<1x21xf32, #tpu.memory_space<vmem>>
      %dma_start3A_55 = arith.constant 0 : i32
      %dma_start3A_56 = tpu.memref_slice %arg3[%squeeze3A_48, %dma_start3A_55] : memref<2953495x21xf32, #tpu.memory_space<hbm>> -> memref<1x21xf32, #tpu.memory_space<hbm>>
      %dma_start3A_57 = arith.constant 0 : i32
      %dma_start3A_58 = tpu.memref_slice %arg6[%add3A_52, %dma_start3A_57] : memref<256x21xf32, #tpu.memory_space<vmem>> -> memref<1x21xf32, #tpu.memory_space<vmem>>
      %dma_start3A_59 = arith.constant 0 : i32
      %dma_start3A_60 = tpu.memref_slice %arg3[%squeeze3A_48, %dma_start3A_59] : memref<2953495x21xf32, #tpu.memory_space<hbm>> -> memref<1x21xf32, #tpu.memory_space<hbm>>
      tpu.enqueue_dma source(%dma_start3A_60 : memref<1x21xf32, #tpu.memory_space<hbm>>) target(%dma_start3A_58 : memref<1x21xf32, #tpu.memory_space<vmem>>) target_semaphore(%arg7 : memref<!tpu.dma_semaphore, #tpu.memory_space<semaphore_mem>>)
      %slice3A_61 = vector.extract_strided_slice %get3A_35 {offsets = [2], sizes = [1], strides = [1]} : vector<16xi32> to vector<1xi32>
      %squeeze3A_62 = vector.extract %slice3A_61[0] : i32 from vector<1xi32>
      %mul3A_63 = arith.constant 16 : i32
      %mul3A_64 = arith.muli %scan3A_29, %mul3A_63 : i32
      %add3A_65 = arith.constant 2 : i32
      %add3A_66 = arith.addi %mul3A_64, %add3A_65 : i32
      %dma_start3A_67 = arith.constant 0 : i32
      %dma_start3A_68 = tpu.memref_slice %arg6[%add3A_66, %dma_start3A_67] : memref<256x21xf32, #tpu.memory_space<vmem>> -> memref<1x21xf32, #tpu.memory_space<vmem>>
      %dma_start3A_69 = arith.constant 0 : i32
      %dma_start3A_70 = tpu.memref_slice %arg3[%squeeze3A_62, %dma_start3A_69] : memref<2953495x21xf32, #tpu.memory_space<hbm>> -> memref<1x21xf32, #tpu.memory_space<hbm>>
      %dma_start3A_71 = arith.constant 0 : i32
      %dma_start3A_72 = tpu.memref_slice %arg6[%add3A_66, %dma_start3A_71] : memref<256x21xf32, #tpu.memory_space<vmem>> -> memref<1x21xf32, #tpu.memory_space<vmem>>
      %dma_start3A_73 = arith.constant 0 : i32
      %dma_start3A_74 = tpu.memref_slice %arg3[%squeeze3A_62, %dma_start3A_73] : memref<2953495x21xf32, #tpu.memory_space<hbm>> -> memref<1x21xf32, #tpu.memory_space<hbm>>
      tpu.enqueue_dma source(%dma_start3A_74 : memref<1x21xf32, #tpu.memory_space<hbm>>) target(%dma_start3A_72 : memref<1x21xf32, #tpu.memory_space<vmem>>) target_semaphore(%arg7 : memref<!tpu.dma_semaphore, #tpu.memory_space<semaphore_mem>>)
      %slice3A_75 = vector.extract_strided_slice %get3A_35 {offsets = [3], sizes = [1], strides = [1]} : vector<16xi32> to vector<1xi32>
      %squeeze3A_76 = vector.extract %slice3A_75[0] : i32 from vector<1xi32>
      %mul3A_77 = arith.constant 16 : i32
      %mul3A_78 = arith.muli %scan3A_29, %mul3A_77 : i32
      %add3A_79 = arith.constant 3 : i32
      %add3A_80 = arith.addi %mul3A_78, %add3A_79 : i32
      %dma_start3A_81 = arith.constant 0 : i32
      %dma_start3A_82 = tpu.memref_slice %arg6[%add3A_80, %dma_start3A_81] : memref<256x21xf32, #tpu.memory_space<vmem>> -> memref<1x21xf32, #tpu.memory_space<vmem>>
      %dma_start3A_83 = arith.constant 0 : i32
      %dma_start3A_84 = tpu.memref_slice %arg3[%squeeze3A_76, %dma_start3A_83] : memref<2953495x21xf32, #tpu.memory_space<hbm>> -> memref<1x21xf32, #tpu.memory_space<hbm>>
      %dma_start3A_85 = arith.constant 0 : i32
      %dma_start3A_86 = tpu.memref_slice %arg6[%add3A_80, %dma_start3A_85] : memref<256x21xf32, #tpu.memory_space<vmem>> -> memref<1x21xf32, #tpu.memory_space<vmem>>
      %dma_start3A_87 = arith.constant 0 : i32
      %dma_start3A_88 = tpu.memref_slice %arg3[%squeeze3A_76, %dma_start3A_87] : memref<2953495x21xf32, #tpu.memory_space<hbm>> -> memref<1x21xf32, #tpu.memory_space<hbm>>
      tpu.enqueue_dma source(%dma_start3A_88 : memref<1x21xf32, #tpu.memory_space<hbm>>) target(%dma_start3A_86 : memref<1x21xf32, #tpu.memory_space<vmem>>) target_semaphore(%arg7 : memref<!tpu.dma_semaphore, #tpu.memory_space<semaphore_mem>>)
      %slice3A_89 = vector.extract_strided_slice %get3A_35 {offsets = [4], sizes = [1], strides = [1]} : vector<16xi32> to vector<1xi32>
      %squeeze3A_90 = vector.extract %slice3A_89[0] : i32 from vector<1xi32>
      %mul3A_91 = arith.constant 16 : i32
      %mul3A_92 = arith.muli %scan3A_29, %mul3A_91 : i32
      %add3A_93 = arith.constant 4 : i32
      %add3A_94 = arith.addi %mul3A_92, %add3A_93 : i32
      %dma_start3A_95 = arith.constant 0 : i32
      %dma_start3A_96 = tpu.memref_slice %arg6[%add3A_94, %dma_start3A_95] : memref<256x21xf32, #tpu.memory_space<vmem>> -> memref<1x21xf32, #tpu.memory_space<vmem>>
      %dma_start3A_97 = arith.constant 0 : i32
      %dma_start3A_98 = tpu.memref_slice %arg3[%squeeze3A_90, %dma_start3A_97] : memref<2953495x21xf32, #tpu.memory_space<hbm>> -> memref<1x21xf32, #tpu.memory_space<hbm>>
      %dma_start3A_99 = arith.constant 0 : i32
      %dma_start3A_100 = tpu.memref_slice %arg6[%add3A_94, %dma_start3A_99] : memref<256x21xf32, #tpu.memory_space<vmem>> -> memref<1x21xf32, #tpu.memory_space<vmem>>
      %dma_start3A_101 = arith.constant 0 : i32
      %dma_start3A_102 = tpu.memref_slice %arg3[%squeeze3A_90, %dma_start3A_101] : memref<2953495x21xf32, #tpu.memory_space<hbm>> -> memref<1x21xf32, #tpu.memory_space<hbm>>
      tpu.enqueue_dma source(%dma_start3A_102 : memref<1x21xf32, #tpu.memory_space<hbm>>) target(%dma_start3A_100 : memref<1x21xf32, #tpu.memory_space<vmem>>) target_semaphore(%arg7 : memref<!tpu.dma_semaphore, #tpu.memory_space<semaphore_mem>>)
      %slice3A_103 = vector.extract_strided_slice %get3A_35 {offsets = [5], sizes = [1], strides = [1]} : vector<16xi32> to vector<1xi32>
      %squeeze3A_104 = vector.extract %slice3A_103[0] : i32 from vector<1xi32>
      %mul3A_105 = arith.constant 16 : i32
      %mul3A_106 = arith.muli %scan3A_29, %mul3A_105 : i32
      %add3A_107 = arith.constant 5 : i32
      %add3A_108 = arith.addi %mul3A_106, %add3A_107 : i32
      %dma_start3A_109 = arith.constant 0 : i32
      %dma_start3A_110 = tpu.memref_slice %arg6[%add3A_108, %dma_start3A_109] : memref<256x21xf32, #tpu.memory_space<vmem>> -> memref<1x21xf32, #tpu.memory_space<vmem>>
      %dma_start3A_111 = arith.constant 0 : i32
      %dma_start3A_112 = tpu.memref_slice %arg3[%squeeze3A_104, %dma_start3A_111] : memref<2953495x21xf32, #tpu.memory_space<hbm>> -> memref<1x21xf32, #tpu.memory_space<hbm>>
      %dma_start3A_113 = arith.constant 0 : i32
      %dma_start3A_114 = tpu.memref_slice %arg6[%add3A_108, %dma_start3A_113] : memref<256x21xf32, #tpu.memory_space<vmem>> -> memref<1x21xf32, #tpu.memory_space<vmem>>
      %dma_start3A_115 = arith.constant 0 : i32
      %dma_start3A_116 = tpu.memref_slice %arg3[%squeeze3A_104, %dma_start3A_115] : memref<2953495x21xf32, #tpu.memory_space<hbm>> -> memref<1x21xf32, #tpu.memory_space<hbm>>
      tpu.enqueue_dma source(%dma_start3A_116 : memref<1x21xf32, #tpu.memory_space<hbm>>) target(%dma_start3A_114 : memref<1x21xf32, #tpu.memory_space<vmem>>) target_semaphore(%arg7 : memref<!tpu.dma_semaphore, #tpu.memory_space<semaphore_mem>>)
      %slice3A_117 = vector.extract_strided_slice %get3A_35 {offsets = [6], sizes = [1], strides = [1]} : vector<16xi32> to vector<1xi32>
      %squeeze3A_118 = vector.extract %slice3A_117[0] : i32 from vector<1xi32>
      %mul3A_119 = arith.constant 16 : i32
      %mul3A_120 = arith.muli %scan3A_29, %mul3A_119 : i32
      %add3A_121 = arith.constant 6 : i32
      %add3A_122 = arith.addi %mul3A_120, %add3A_121 : i32
      %dma_start3A_123 = arith.constant 0 : i32
      %dma_start3A_124 = tpu.memref_slice %arg6[%add3A_122, %dma_start3A_123] : memref<256x21xf32, #tpu.memory_space<vmem>> -> memref<1x21xf32, #tpu.memory_space<vmem>>
      %dma_start3A_125 = arith.constant 0 : i32
      %dma_start3A_126 = tpu.memref_slice %arg3[%squeeze3A_118, %dma_start3A_125] : memref<2953495x21xf32, #tpu.memory_space<hbm>> -> memref<1x21xf32, #tpu.memory_space<hbm>>
      %dma_start3A_127 = arith.constant 0 : i32
      %dma_start3A_128 = tpu.memref_slice %arg6[%add3A_122, %dma_start3A_127] : memref<256x21xf32, #tpu.memory_space<vmem>> -> memref<1x21xf32, #tpu.memory_space<vmem>>
      %dma_start3A_129 = arith.constant 0 : i32
      %dma_start3A_130 = tpu.memref_slice %arg3[%squeeze3A_118, %dma_start3A_129] : memref<2953495x21xf32, #tpu.memory_space<hbm>> -> memref<1x21xf32, #tpu.memory_space<hbm>>
      tpu.enqueue_dma source(%dma_start3A_130 : memref<1x21xf32, #tpu.memory_space<hbm>>) target(%dma_start3A_128 : memref<1x21xf32, #tpu.memory_space<vmem>>) target_semaphore(%arg7 : memref<!tpu.dma_semaphore, #tpu.memory_space<semaphore_mem>>)
      %slice3A_131 = vector.extract_strided_slice %get3A_35 {offsets = [7], sizes = [1], strides = [1]} : vector<16xi32> to vector<1xi32>
      %squeeze3A_132 = vector.extract %slice3A_131[0] : i32 from vector<1xi32>
      %mul3A_133 = arith.constant 16 : i32
      %mul3A_134 = arith.muli %scan3A_29, %mul3A_133 : i32
      %add3A_135 = arith.constant 7 : i32
      %add3A_136 = arith.addi %mul3A_134, %add3A_135 : i32
      %dma_start3A_137 = arith.constant 0 : i32
      %dma_start3A_138 = tpu.memref_slice %arg6[%add3A_136, %dma_start3A_137] : memref<256x21xf32, #tpu.memory_space<vmem>> -> memref<1x21xf32, #tpu.memory_space<vmem>>
      %dma_start3A_139 = arith.constant 0 : i32
      %dma_start3A_140 = tpu.memref_slice %arg3[%squeeze3A_132, %dma_start3A_139] : memref<2953495x21xf32, #tpu.memory_space<hbm>> -> memref<1x21xf32, #tpu.memory_space<hbm>>
      %dma_start3A_141 = arith.constant 0 : i32
      %dma_start3A_142 = tpu.memref_slice %arg6[%add3A_136, %dma_start3A_141] : memref<256x21xf32, #tpu.memory_space<vmem>> -> memref<1x21xf32, #tpu.memory_space<vmem>>
      %dma_start3A_143 = arith.constant 0 : i32
      %dma_start3A_144 = tpu.memref_slice %arg3[%squeeze3A_132, %dma_start3A_143] : memref<2953495x21xf32, #tpu.memory_space<hbm>> -> memref<1x21xf32, #tpu.memory_space<hbm>>
      tpu.enqueue_dma source(%dma_start3A_144 : memref<1x21xf32, #tpu.memory_space<hbm>>) target(%dma_start3A_142 : memref<1x21xf32, #tpu.memory_space<vmem>>) target_semaphore(%arg7 : memref<!tpu.dma_semaphore, #tpu.memory_space<semaphore_mem>>)
      %slice3A_145 = vector.extract_strided_slice %get3A_35 {offsets = [8], sizes = [1], strides = [1]} : vector<16xi32> to vector<1xi32>
      %squeeze3A_146 = vector.extract %slice3A_145[0] : i32 from vector<1xi32>
      %mul3A_147 = arith.constant 16 : i32
      %mul3A_148 = arith.muli %scan3A_29, %mul3A_147 : i32
      %add3A_149 = arith.constant 8 : i32
      %add3A_150 = arith.addi %mul3A_148, %add3A_149 : i32
      %dma_start3A_151 = arith.constant 0 : i32
      %dma_start3A_152 = tpu.memref_slice %arg6[%add3A_150, %dma_start3A_151] : memref<256x21xf32, #tpu.memory_space<vmem>> -> memref<1x21xf32, #tpu.memory_space<vmem>>
      %dma_start3A_153 = arith.constant 0 : i32
      %dma_start3A_154 = tpu.memref_slice %arg3[%squeeze3A_146, %dma_start3A_153] : memref<2953495x21xf32, #tpu.memory_space<hbm>> -> memref<1x21xf32, #tpu.memory_space<hbm>>
      %dma_start3A_155 = arith.constant 0 : i32
      %dma_start3A_156 = tpu.memref_slice %arg6[%add3A_150, %dma_start3A_155] : memref<256x21xf32, #tpu.memory_space<vmem>> -> memref<1x21xf32, #tpu.memory_space<vmem>>
      %dma_start3A_157 = arith.constant 0 : i32
      %dma_start3A_158 = tpu.memref_slice %arg3[%squeeze3A_146, %dma_start3A_157] : memref<2953495x21xf32, #tpu.memory_space<hbm>> -> memref<1x21xf32, #tpu.memory_space<hbm>>
      tpu.enqueue_dma source(%dma_start3A_158 : memref<1x21xf32, #tpu.memory_space<hbm>>) target(%dma_start3A_156 : memref<1x21xf32, #tpu.memory_space<vmem>>) target_semaphore(%arg7 : memref<!tpu.dma_semaphore, #tpu.memory_space<semaphore_mem>>)
      %slice3A_159 = vector.extract_strided_slice %get3A_35 {offsets = [9], sizes = [1], strides = [1]} : vector<16xi32> to vector<1xi32>
      %squeeze3A_160 = vector.extract %slice3A_159[0] : i32 from vector<1xi32>
      %mul3A_161 = arith.constant 16 : i32
      %mul3A_162 = arith.muli %scan3A_29, %mul3A_161 : i32
      %add3A_163 = arith.constant 9 : i32
      %add3A_164 = arith.addi %mul3A_162, %add3A_163 : i32
      %dma_start3A_165 = arith.constant 0 : i32
      %dma_start3A_166 = tpu.memref_slice %arg6[%add3A_164, %dma_start3A_165] : memref<256x21xf32, #tpu.memory_space<vmem>> -> memref<1x21xf32, #tpu.memory_space<vmem>>
      %dma_start3A_167 = arith.constant 0 : i32
      %dma_start3A_168 = tpu.memref_slice %arg3[%squeeze3A_160, %dma_start3A_167] : memref<2953495x21xf32, #tpu.memory_space<hbm>> -> memref<1x21xf32, #tpu.memory_space<hbm>>
      %dma_start3A_169 = arith.constant 0 : i32
      %dma_start3A_170 = tpu.memref_slice %arg6[%add3A_164, %dma_start3A_169] : memref<256x21xf32, #tpu.memory_space<vmem>> -> memref<1x21xf32, #tpu.memory_space<vmem>>
      %dma_start3A_171 = arith.constant 0 : i32
      %dma_start3A_172 = tpu.memref_slice %arg3[%squeeze3A_160, %dma_start3A_171] : memref<2953495x21xf32, #tpu.memory_space<hbm>> -> memref<1x21xf32, #tpu.memory_space<hbm>>
      tpu.enqueue_dma source(%dma_start3A_172 : memref<1x21xf32, #tpu.memory_space<hbm>>) target(%dma_start3A_170 : memref<1x21xf32, #tpu.memory_space<vmem>>) target_semaphore(%arg7 : memref<!tpu.dma_semaphore, #tpu.memory_space<semaphore_mem>>)
      %slice3A_173 = vector.extract_strided_slice %get3A_35 {offsets = [10], sizes = [1], strides = [1]} : vector<16xi32> to vector<1xi32>
      %squeeze3A_174 = vector.extract %slice3A_173[0] : i32 from vector<1xi32>
      %mul3A_175 = arith.constant 16 : i32
      %mul3A_176 = arith.muli %scan3A_29, %mul3A_175 : i32
      %add3A_177 = arith.constant 10 : i32
      %add3A_178 = arith.addi %mul3A_176, %add3A_177 : i32
      %dma_start3A_179 = arith.constant 0 : i32
      %dma_start3A_180 = tpu.memref_slice %arg6[%add3A_178, %dma_start3A_179] : memref<256x21xf32, #tpu.memory_space<vmem>> -> memref<1x21xf32, #tpu.memory_space<vmem>>
      %dma_start3A_181 = arith.constant 0 : i32
      %dma_start3A_182 = tpu.memref_slice %arg3[%squeeze3A_174, %dma_start3A_181] : memref<2953495x21xf32, #tpu.memory_space<hbm>> -> memref<1x21xf32, #tpu.memory_space<hbm>>
      %dma_start3A_183 = arith.constant 0 : i32
      %dma_start3A_184 = tpu.memref_slice %arg6[%add3A_178, %dma_start3A_183] : memref<256x21xf32, #tpu.memory_space<vmem>> -> memref<1x21xf32, #tpu.memory_space<vmem>>
      %dma_start3A_185 = arith.constant 0 : i32
      %dma_start3A_186 = tpu.memref_slice %arg3[%squeeze3A_174, %dma_start3A_185] : memref<2953495x21xf32, #tpu.memory_space<hbm>> -> memref<1x21xf32, #tpu.memory_space<hbm>>
      tpu.enqueue_dma source(%dma_start3A_186 : memref<1x21xf32, #tpu.memory_space<hbm>>) target(%dma_start3A_184 : memref<1x21xf32, #tpu.memory_space<vmem>>) target_semaphore(%arg7 : memref<!tpu.dma_semaphore, #tpu.memory_space<semaphore_mem>>)
      %slice3A_187 = vector.extract_strided_slice %get3A_35 {offsets = [11], sizes = [1], strides = [1]} : vector<16xi32> to vector<1xi32>
      %squeeze3A_188 = vector.extract %slice3A_187[0] : i32 from vector<1xi32>
      %mul3A_189 = arith.constant 16 : i32
      %mul3A_190 = arith.muli %scan3A_29, %mul3A_189 : i32
      %add3A_191 = arith.constant 11 : i32
      %add3A_192 = arith.addi %mul3A_190, %add3A_191 : i32
      %dma_start3A_193 = arith.constant 0 : i32
      %dma_start3A_194 = tpu.memref_slice %arg6[%add3A_192, %dma_start3A_193] : memref<256x21xf32, #tpu.memory_space<vmem>> -> memref<1x21xf32, #tpu.memory_space<vmem>>
      %dma_start3A_195 = arith.constant 0 : i32
      %dma_start3A_196 = tpu.memref_slice %arg3[%squeeze3A_188, %dma_start3A_195] : memref<2953495x21xf32, #tpu.memory_space<hbm>> -> memref<1x21xf32, #tpu.memory_space<hbm>>
      %dma_start3A_197 = arith.constant 0 : i32
      %dma_start3A_198 = tpu.memref_slice %arg6[%add3A_192, %dma_start3A_197] : memref<256x21xf32, #tpu.memory_space<vmem>> -> memref<1x21xf32, #tpu.memory_space<vmem>>
      %dma_start3A_199 = arith.constant 0 : i32
      %dma_start3A_200 = tpu.memref_slice %arg3[%squeeze3A_188, %dma_start3A_199] : memref<2953495x21xf32, #tpu.memory_space<hbm>> -> memref<1x21xf32, #tpu.memory_space<hbm>>
      tpu.enqueue_dma source(%dma_start3A_200 : memref<1x21xf32, #tpu.memory_space<hbm>>) target(%dma_start3A_198 : memref<1x21xf32, #tpu.memory_space<vmem>>) target_semaphore(%arg7 : memref<!tpu.dma_semaphore, #tpu.memory_space<semaphore_mem>>)
      %slice3A_201 = vector.extract_strided_slice %get3A_35 {offsets = [12], sizes = [1], strides = [1]} : vector<16xi32> to vector<1xi32>
      %squeeze3A_202 = vector.extract %slice3A_201[0] : i32 from vector<1xi32>
      %mul3A_203 = arith.constant 16 : i32
      %mul3A_204 = arith.muli %scan3A_29, %mul3A_203 : i32
      %add3A_205 = arith.constant 12 : i32
      %add3A_206 = arith.addi %mul3A_204, %add3A_205 : i32
      %dma_start3A_207 = arith.constant 0 : i32
      %dma_start3A_208 = tpu.memref_slice %arg6[%add3A_206, %dma_start3A_207] : memref<256x21xf32, #tpu.memory_space<vmem>> -> memref<1x21xf32, #tpu.memory_space<vmem>>
      %dma_start3A_209 = arith.constant 0 : i32
      %dma_start3A_210 = tpu.memref_slice %arg3[%squeeze3A_202, %dma_start3A_209] : memref<2953495x21xf32, #tpu.memory_space<hbm>> -> memref<1x21xf32, #tpu.memory_space<hbm>>
      %dma_start3A_211 = arith.constant 0 : i32
      %dma_start3A_212 = tpu.memref_slice %arg6[%add3A_206, %dma_start3A_211] : memref<256x21xf32, #tpu.memory_space<vmem>> -> memref<1x21xf32, #tpu.memory_space<vmem>>
      %dma_start3A_213 = arith.constant 0 : i32
      %dma_start3A_214 = tpu.memref_slice %arg3[%squeeze3A_202, %dma_start3A_213] : memref<2953495x21xf32, #tpu.memory_space<hbm>> -> memref<1x21xf32, #tpu.memory_space<hbm>>
      tpu.enqueue_dma source(%dma_start3A_214 : memref<1x21xf32, #tpu.memory_space<hbm>>) target(%dma_start3A_212 : memref<1x21xf32, #tpu.memory_space<vmem>>) target_semaphore(%arg7 : memref<!tpu.dma_semaphore, #tpu.memory_space<semaphore_mem>>)
      %slice3A_215 = vector.extract_strided_slice %get3A_35 {offsets = [13], sizes = [1], strides = [1]} : vector<16xi32> to vector<1xi32>
      %squeeze3A_216 = vector.extract %slice3A_215[0] : i32 from vector<1xi32>
      %mul3A_217 = arith.constant 16 : i32
      %mul3A_218 = arith.muli %scan3A_29, %mul3A_217 : i32
      %add3A_219 = arith.constant 13 : i32
      %add3A_220 = arith.addi %mul3A_218, %add3A_219 : i32
      %dma_start3A_221 = arith.constant 0 : i32
      %dma_start3A_222 = tpu.memref_slice %arg6[%add3A_220, %dma_start3A_221] : memref<256x21xf32, #tpu.memory_space<vmem>> -> memref<1x21xf32, #tpu.memory_space<vmem>>
      %dma_start3A_223 = arith.constant 0 : i32
      %dma_start3A_224 = tpu.memref_slice %arg3[%squeeze3A_216, %dma_start3A_223] : memref<2953495x21xf32, #tpu.memory_space<hbm>> -> memref<1x21xf32, #tpu.memory_space<hbm>>
      %dma_start3A_225 = arith.constant 0 : i32
      %dma_start3A_226 = tpu.memref_slice %arg6[%add3A_220, %dma_start3A_225] : memref<256x21xf32, #tpu.memory_space<vmem>> -> memref<1x21xf32, #tpu.memory_space<vmem>>
      %dma_start3A_227 = arith.constant 0 : i32
      %dma_start3A_228 = tpu.memref_slice %arg3[%squeeze3A_216, %dma_start3A_227] : memref<2953495x21xf32, #tpu.memory_space<hbm>> -> memref<1x21xf32, #tpu.memory_space<hbm>>
      tpu.enqueue_dma source(%dma_start3A_228 : memref<1x21xf32, #tpu.memory_space<hbm>>) target(%dma_start3A_226 : memref<1x21xf32, #tpu.memory_space<vmem>>) target_semaphore(%arg7 : memref<!tpu.dma_semaphore, #tpu.memory_space<semaphore_mem>>)
      %slice3A_229 = vector.extract_strided_slice %get3A_35 {offsets = [14], sizes = [1], strides = [1]} : vector<16xi32> to vector<1xi32>
      %squeeze3A_230 = vector.extract %slice3A_229[0] : i32 from vector<1xi32>
      %mul3A_231 = arith.constant 16 : i32
      %mul3A_232 = arith.muli %scan3A_29, %mul3A_231 : i32
      %add3A_233 = arith.constant 14 : i32
      %add3A_234 = arith.addi %mul3A_232, %add3A_233 : i32
      %dma_start3A_235 = arith.constant 0 : i32
      %dma_start3A_236 = tpu.memref_slice %arg6[%add3A_234, %dma_start3A_235] : memref<256x21xf32, #tpu.memory_space<vmem>> -> memref<1x21xf32, #tpu.memory_space<vmem>>
      %dma_start3A_237 = arith.constant 0 : i32
      %dma_start3A_238 = tpu.memref_slice %arg3[%squeeze3A_230, %dma_start3A_237] : memref<2953495x21xf32, #tpu.memory_space<hbm>> -> memref<1x21xf32, #tpu.memory_space<hbm>>
      %dma_start3A_239 = arith.constant 0 : i32
      %dma_start3A_240 = tpu.memref_slice %arg6[%add3A_234, %dma_start3A_239] : memref<256x21xf32, #tpu.memory_space<vmem>> -> memref<1x21xf32, #tpu.memory_space<vmem>>
      %dma_start3A_241 = arith.constant 0 : i32
      %dma_start3A_242 = tpu.memref_slice %arg3[%squeeze3A_230, %dma_start3A_241] : memref<2953495x21xf32, #tpu.memory_space<hbm>> -> memref<1x21xf32, #tpu.memory_space<hbm>>
      tpu.enqueue_dma source(%dma_start3A_242 : memref<1x21xf32, #tpu.memory_space<hbm>>) target(%dma_start3A_240 : memref<1x21xf32, #tpu.memory_space<vmem>>) target_semaphore(%arg7 : memref<!tpu.dma_semaphore, #tpu.memory_space<semaphore_mem>>)
      %slice3A_243 = vector.extract_strided_slice %get3A_35 {offsets = [15], sizes = [1], strides = [1]} : vector<16xi32> to vector<1xi32>
      %squeeze3A_244 = vector.extract %slice3A_243[0] : i32 from vector<1xi32>
      %mul3A_245 = arith.constant 16 : i32
      %mul3A_246 = arith.muli %scan3A_29, %mul3A_245 : i32
      %add3A_247 = arith.constant 15 : i32
      %add3A_248 = arith.addi %mul3A_246, %add3A_247 : i32
      %dma_start3A_249 = arith.constant 0 : i32
      %dma_start3A_250 = tpu.memref_slice %arg6[%add3A_248, %dma_start3A_249] : memref<256x21xf32, #tpu.memory_space<vmem>> -> memref<1x21xf32, #tpu.memory_space<vmem>>
      %dma_start3A_251 = arith.constant 0 : i32
      %dma_start3A_252 = tpu.memref_slice %arg3[%squeeze3A_244, %dma_start3A_251] : memref<2953495x21xf32, #tpu.memory_space<hbm>> -> memref<1x21xf32, #tpu.memory_space<hbm>>
      %dma_start3A_253 = arith.constant 0 : i32
      %dma_start3A_254 = tpu.memref_slice %arg6[%add3A_248, %dma_start3A_253] : memref<256x21xf32, #tpu.memory_space<vmem>> -> memref<1x21xf32, #tpu.memory_space<vmem>>
      %dma_start3A_255 = arith.constant 0 : i32
      %dma_start3A_256 = tpu.memref_slice %arg3[%squeeze3A_244, %dma_start3A_255] : memref<2953495x21xf32, #tpu.memory_space<hbm>> -> memref<1x21xf32, #tpu.memory_space<hbm>>
      tpu.enqueue_dma source(%dma_start3A_256 : memref<1x21xf32, #tpu.memory_space<hbm>>) target(%dma_start3A_254 : memref<1x21xf32, #tpu.memory_space<vmem>>) target_semaphore(%arg7 : memref<!tpu.dma_semaphore, #tpu.memory_space<semaphore_mem>>)
    }
    %scan3A_7 = arith.constant 16 : i32
    %dma_wait3A = arith.constant 0 : i32
    %dma_wait3A_8 = arith.constant 0 : i32
    %dma_wait3A_9 = tpu.memref_slice %arg4[%dma_wait3A, %dma_wait3A_8] : memref<16384x21xf32, #tpu.memory_space<hbm>> -> memref<256x21xf32, #tpu.memory_space<hbm>>
    %dma_wait3A_10 = arith.constant 0 : i32
    %dma_wait3A_11 = arith.constant 0 : i32
    %dma_wait3A_12 = tpu.memref_slice %arg4[%dma_wait3A_10, %dma_wait3A_11] : memref<16384x21xf32, #tpu.memory_space<hbm>> -> memref<256x21xf32, #tpu.memory_space<hbm>>
    tpu.wait_dma2 semaphore(%arg7 : memref<!tpu.dma_semaphore, #tpu.memory_space<semaphore_mem>>) src(%dma_wait3A_12 : memref<256x21xf32, #tpu.memory_space<hbm>>) dst(%arg6 : memref<256x21xf32, #tpu.memory_space<vmem>>)
    %add3A_13 = arith.constant 0 : i32
    %add3A_14 = arith.addi %mul3A_2, %add3A_13 : i32
    "tpu.region"() ({
      %run_scoped3A = tpu.sem_alloc : memref<!tpu.dma_semaphore, #tpu.memory_space<semaphore_mem>>
      %dma_start3A = arith.constant 0 : i32
      %dma_start3A_29 = tpu.memref_slice %arg4[%add3A_14, %dma_start3A] : memref<16384x21xf32, #tpu.memory_space<hbm>> -> memref<256x21xf32, #tpu.memory_space<hbm>>
      %dma_start3A_30 = arith.constant 0 : i32
      %dma_start3A_31 = tpu.memref_slice %arg4[%add3A_14, %dma_start3A_30] : memref<16384x21xf32, #tpu.memory_space<hbm>> -> memref<256x21xf32, #tpu.memory_space<hbm>>
      tpu.enqueue_dma source(%arg6 : memref<256x21xf32, #tpu.memory_space<vmem>>) target(%dma_start3A_31 : memref<256x21xf32, #tpu.memory_space<hbm>>) target_semaphore(%run_scoped3A : memref<!tpu.dma_semaphore, #tpu.memory_space<semaphore_mem>>)
      %dma_wait3A_32 = arith.constant 0 : i32
      %dma_wait3A_33 = tpu.memref_slice %arg4[%add3A_14, %dma_wait3A_32] : memref<16384x21xf32, #tpu.memory_space<hbm>> -> memref<256x21xf32, #tpu.memory_space<hbm>>
      %dma_wait3A_34 = arith.constant 0 : i32
      %dma_wait3A_35 = tpu.memref_slice %arg4[%add3A_14, %dma_wait3A_34] : memref<16384x21xf32, #tpu.memory_space<hbm>> -> memref<256x21xf32, #tpu.memory_space<hbm>>
      tpu.wait_dma2 semaphore(%run_scoped3A : memref<!tpu.dma_semaphore, #tpu.memory_space<semaphore_mem>>) src(%arg6 : memref<256x21xf32, #tpu.memory_space<vmem>>) dst(%dma_wait3A_35 : memref<256x21xf32, #tpu.memory_space<hbm>>)
      tpu.yield
    }) : () -> ()
    %scan3A_15 = arith.constant 0 : i32
    %scan3A_16 = arith.constant 0 : i32
    %scan3A_17 = arith.constant 16 : i32
    %scan3A_18 = arith.addi %scan3A_16, %scan3A_17 : i32
    %scan3A_19 = arith.constant 1 : i32
    scf.for %scan3A_29 = %scan3A_16 to %scan3A_18 step %scan3A_19  : i32 {
      %mul3A_30 = arith.constant 16 : i32
      %mul3A_31 = arith.muli %scan3A_29, %mul3A_30 : i32
      %add3A_32 = arith.constant 256 : i32
      %add3A_33 = arith.addi %add3A_32, %mul3A_31 : i32
      %get3A = arith.index_cast %add3A_33 : i32 to index
      %get3A_34 = tpu.vector_load %arg5[%get3A] {strides = array<i32>} : memref<512xi32, #tpu.memory_space<vmem>>, vector<16xi32>,
      %get3A_35 = vector.shape_cast %get3A_34 : vector<16xi32> to vector<16xi32>
      %slice3A = vector.extract_strided_slice %get3A_35 {offsets = [0], sizes = [1], strides = [1]} : vector<16xi32> to vector<1xi32>
      %squeeze3A = vector.extract %slice3A[0] : i32 from vector<1xi32>
      %mul3A_36 = arith.constant 16 : i32
      %mul3A_37 = arith.muli %scan3A_29, %mul3A_36 : i32
      %add3A_38 = arith.constant 0 : i32
      %add3A_39 = arith.addi %mul3A_37, %add3A_38 : i32
      %dma_start3A = arith.constant 0 : i32
      %dma_start3A_40 = tpu.memref_slice %arg6[%add3A_39, %dma_start3A] : memref<256x21xf32, #tpu.memory_space<vmem>> -> memref<1x21xf32, #tpu.memory_space<vmem>>
      %dma_start3A_41 = arith.constant 0 : i32
      %dma_start3A_42 = tpu.memref_slice %arg3[%squeeze3A, %dma_start3A_41] : memref<2953495x21xf32, #tpu.memory_space<hbm>> -> memref<1x21xf32, #tpu.memory_space<hbm>>
      %dma_start3A_43 = arith.constant 0 : i32
      %dma_start3A_44 = tpu.memref_slice %arg6[%add3A_39, %dma_start3A_43] : memref<256x21xf32, #tpu.memory_space<vmem>> -> memref<1x21xf32, #tpu.memory_space<vmem>>
      %dma_start3A_45 = arith.constant 0 : i32
      %dma_start3A_46 = tpu.memref_slice %arg3[%squeeze3A, %dma_start3A_45] : memref<2953495x21xf32, #tpu.memory_space<hbm>> -> memref<1x21xf32, #tpu.memory_space<hbm>>
      tpu.enqueue_dma source(%dma_start3A_46 : memref<1x21xf32, #tpu.memory_space<hbm>>) target(%dma_start3A_44 : memref<1x21xf32, #tpu.memory_space<vmem>>) target_semaphore(%arg7 : memref<!tpu.dma_semaphore, #tpu.memory_space<semaphore_mem>>)
      %slice3A_47 = vector.extract_strided_slice %get3A_35 {offsets = [1], sizes = [1], strides = [1]} : vector<16xi32> to vector<1xi32>
      %squeeze3A_48 = vector.extract %slice3A_47[0] : i32 from vector<1xi32>
      %mul3A_49 = arith.constant 16 : i32
      %mul3A_50 = arith.muli %scan3A_29, %mul3A_49 : i32
      %add3A_51 = arith.constant 1 : i32
      %add3A_52 = arith.addi %mul3A_50, %add3A_51 : i32
      %dma_start3A_53 = arith.constant 0 : i32
      %dma_start3A_54 = tpu.memref_slice %arg6[%add3A_52, %dma_start3A_53] : memref<256x21xf32, #tpu.memory_space<vmem>> -> memref<1x21xf32, #tpu.memory_space<vmem>>
      %dma_start3A_55 = arith.constant 0 : i32
      %dma_start3A_56 = tpu.memref_slice %arg3[%squeeze3A_48, %dma_start3A_55] : memref<2953495x21xf32, #tpu.memory_space<hbm>> -> memref<1x21xf32, #tpu.memory_space<hbm>>
      %dma_start3A_57 = arith.constant 0 : i32
      %dma_start3A_58 = tpu.memref_slice %arg6[%add3A_52, %dma_start3A_57] : memref<256x21xf32, #tpu.memory_space<vmem>> -> memref<1x21xf32, #tpu.memory_space<vmem>>
      %dma_start3A_59 = arith.constant 0 : i32
      %dma_start3A_60 = tpu.memref_slice %arg3[%squeeze3A_48, %dma_start3A_59] : memref<2953495x21xf32, #tpu.memory_space<hbm>> -> memref<1x21xf32, #tpu.memory_space<hbm>>
      tpu.enqueue_dma source(%dma_start3A_60 : memref<1x21xf32, #tpu.memory_space<hbm>>) target(%dma_start3A_58 : memref<1x21xf32, #tpu.memory_space<vmem>>) target_semaphore(%arg7 : memref<!tpu.dma_semaphore, #tpu.memory_space<semaphore_mem>>)
      %slice3A_61 = vector.extract_strided_slice %get3A_35 {offsets = [2], sizes = [1], strides = [1]} : vector<16xi32> to vector<1xi32>
      %squeeze3A_62 = vector.extract %slice3A_61[0] : i32 from vector<1xi32>
      %mul3A_63 = arith.constant 16 : i32
      %mul3A_64 = arith.muli %scan3A_29, %mul3A_63 : i32
      %add3A_65 = arith.constant 2 : i32
      %add3A_66 = arith.addi %mul3A_64, %add3A_65 : i32
      %dma_start3A_67 = arith.constant 0 : i32
      %dma_start3A_68 = tpu.memref_slice %arg6[%add3A_66, %dma_start3A_67] : memref<256x21xf32, #tpu.memory_space<vmem>> -> memref<1x21xf32, #tpu.memory_space<vmem>>
      %dma_start3A_69 = arith.constant 0 : i32
      %dma_start3A_70 = tpu.memref_slice %arg3[%squeeze3A_62, %dma_start3A_69] : memref<2953495x21xf32, #tpu.memory_space<hbm>> -> memref<1x21xf32, #tpu.memory_space<hbm>>
      %dma_start3A_71 = arith.constant 0 : i32
      %dma_start3A_72 = tpu.memref_slice %arg6[%add3A_66, %dma_start3A_71] : memref<256x21xf32, #tpu.memory_space<vmem>> -> memref<1x21xf32, #tpu.memory_space<vmem>>
      %dma_start3A_73 = arith.constant 0 : i32
      %dma_start3A_74 = tpu.memref_slice %arg3[%squeeze3A_62, %dma_start3A_73] : memref<2953495x21xf32, #tpu.memory_space<hbm>> -> memref<1x21xf32, #tpu.memory_space<hbm>>
      tpu.enqueue_dma source(%dma_start3A_74 : memref<1x21xf32, #tpu.memory_space<hbm>>) target(%dma_start3A_72 : memref<1x21xf32, #tpu.memory_space<vmem>>) target_semaphore(%arg7 : memref<!tpu.dma_semaphore, #tpu.memory_space<semaphore_mem>>)
      %slice3A_75 = vector.extract_strided_slice %get3A_35 {offsets = [3], sizes = [1], strides = [1]} : vector<16xi32> to vector<1xi32>
      %squeeze3A_76 = vector.extract %slice3A_75[0] : i32 from vector<1xi32>
      %mul3A_77 = arith.constant 16 : i32
      %mul3A_78 = arith.muli %scan3A_29, %mul3A_77 : i32
      %add3A_79 = arith.constant 3 : i32
      %add3A_80 = arith.addi %mul3A_78, %add3A_79 : i32
      %dma_start3A_81 = arith.constant 0 : i32
      %dma_start3A_82 = tpu.memref_slice %arg6[%add3A_80, %dma_start3A_81] : memref<256x21xf32, #tpu.memory_space<vmem>> -> memref<1x21xf32, #tpu.memory_space<vmem>>
      %dma_start3A_83 = arith.constant 0 : i32
      %dma_start3A_84 = tpu.memref_slice %arg3[%squeeze3A_76, %dma_start3A_83] : memref<2953495x21xf32, #tpu.memory_space<hbm>> -> memref<1x21xf32, #tpu.memory_space<hbm>>
      %dma_start3A_85 = arith.constant 0 : i32
      %dma_start3A_86 = tpu.memref_slice %arg6[%add3A_80, %dma_start3A_85] : memref<256x21xf32, #tpu.memory_space<vmem>> -> memref<1x21xf32, #tpu.memory_space<vmem>>
      %dma_start3A_87 = arith.constant 0 : i32
      %dma_start3A_88 = tpu.memref_slice %arg3[%squeeze3A_76, %dma_start3A_87] : memref<2953495x21xf32, #tpu.memory_space<hbm>> -> memref<1x21xf32, #tpu.memory_space<hbm>>
      tpu.enqueue_dma source(%dma_start3A_88 : memref<1x21xf32, #tpu.memory_space<hbm>>) target(%dma_start3A_86 : memref<1x21xf32, #tpu.memory_space<vmem>>) target_semaphore(%arg7 : memref<!tpu.dma_semaphore, #tpu.memory_space<semaphore_mem>>)
      %slice3A_89 = vector.extract_strided_slice %get3A_35 {offsets = [4], sizes = [1], strides = [1]} : vector<16xi32> to vector<1xi32>
      %squeeze3A_90 = vector.extract %slice3A_89[0] : i32 from vector<1xi32>
      %mul3A_91 = arith.constant 16 : i32
      %mul3A_92 = arith.muli %scan3A_29, %mul3A_91 : i32
      %add3A_93 = arith.constant 4 : i32
      %add3A_94 = arith.addi %mul3A_92, %add3A_93 : i32
      %dma_start3A_95 = arith.constant 0 : i32
      %dma_start3A_96 = tpu.memref_slice %arg6[%add3A_94, %dma_start3A_95] : memref<256x21xf32, #tpu.memory_space<vmem>> -> memref<1x21xf32, #tpu.memory_space<vmem>>
      %dma_start3A_97 = arith.constant 0 : i32
      %dma_start3A_98 = tpu.memref_slice %arg3[%squeeze3A_90, %dma_start3A_97] : memref<2953495x21xf32, #tpu.memory_space<hbm>> -> memref<1x21xf32, #tpu.memory_space<hbm>>
      %dma_start3A_99 = arith.constant 0 : i32
      %dma_start3A_100 = tpu.memref_slice %arg6[%add3A_94, %dma_start3A_99] : memref<256x21xf32, #tpu.memory_space<vmem>> -> memref<1x21xf32, #tpu.memory_space<vmem>>
      %dma_start3A_101 = arith.constant 0 : i32
      %dma_start3A_102 = tpu.memref_slice %arg3[%squeeze3A_90, %dma_start3A_101] : memref<2953495x21xf32, #tpu.memory_space<hbm>> -> memref<1x21xf32, #tpu.memory_space<hbm>>
      tpu.enqueue_dma source(%dma_start3A_102 : memref<1x21xf32, #tpu.memory_space<hbm>>) target(%dma_start3A_100 : memref<1x21xf32, #tpu.memory_space<vmem>>) target_semaphore(%arg7 : memref<!tpu.dma_semaphore, #tpu.memory_space<semaphore_mem>>)
      %slice3A_103 = vector.extract_strided_slice %get3A_35 {offsets = [5], sizes = [1], strides = [1]} : vector<16xi32> to vector<1xi32>
      %squeeze3A_104 = vector.extract %slice3A_103[0] : i32 from vector<1xi32>
      %mul3A_105 = arith.constant 16 : i32
      %mul3A_106 = arith.muli %scan3A_29, %mul3A_105 : i32
      %add3A_107 = arith.constant 5 : i32
      %add3A_108 = arith.addi %mul3A_106, %add3A_107 : i32
      %dma_start3A_109 = arith.constant 0 : i32
      %dma_start3A_110 = tpu.memref_slice %arg6[%add3A_108, %dma_start3A_109] : memref<256x21xf32, #tpu.memory_space<vmem>> -> memref<1x21xf32, #tpu.memory_space<vmem>>
      %dma_start3A_111 = arith.constant 0 : i32
      %dma_start3A_112 = tpu.memref_slice %arg3[%squeeze3A_104, %dma_start3A_111] : memref<2953495x21xf32, #tpu.memory_space<hbm>> -> memref<1x21xf32, #tpu.memory_space<hbm>>
      %dma_start3A_113 = arith.constant 0 : i32
      %dma_start3A_114 = tpu.memref_slice %arg6[%add3A_108, %dma_start3A_113] : memref<256x21xf32, #tpu.memory_space<vmem>> -> memref<1x21xf32, #tpu.memory_space<vmem>>
      %dma_start3A_115 = arith.constant 0 : i32
      %dma_start3A_116 = tpu.memref_slice %arg3[%squeeze3A_104, %dma_start3A_115] : memref<2953495x21xf32, #tpu.memory_space<hbm>> -> memref<1x21xf32, #tpu.memory_space<hbm>>
      tpu.enqueue_dma source(%dma_start3A_116 : memref<1x21xf32, #tpu.memory_space<hbm>>) target(%dma_start3A_114 : memref<1x21xf32, #tpu.memory_space<vmem>>) target_semaphore(%arg7 : memref<!tpu.dma_semaphore, #tpu.memory_space<semaphore_mem>>)
      %slice3A_117 = vector.extract_strided_slice %get3A_35 {offsets = [6], sizes = [1], strides = [1]} : vector<16xi32> to vector<1xi32>
      %squeeze3A_118 = vector.extract %slice3A_117[0] : i32 from vector<1xi32>
      %mul3A_119 = arith.constant 16 : i32
      %mul3A_120 = arith.muli %scan3A_29, %mul3A_119 : i32
      %add3A_121 = arith.constant 6 : i32
      %add3A_122 = arith.addi %mul3A_120, %add3A_121 : i32
      %dma_start3A_123 = arith.constant 0 : i32
      %dma_start3A_124 = tpu.memref_slice %arg6[%add3A_122, %dma_start3A_123] : memref<256x21xf32, #tpu.memory_space<vmem>> -> memref<1x21xf32, #tpu.memory_space<vmem>>
      %dma_start3A_125 = arith.constant 0 : i32
      %dma_start3A_126 = tpu.memref_slice %arg3[%squeeze3A_118, %dma_start3A_125] : memref<2953495x21xf32, #tpu.memory_space<hbm>> -> memref<1x21xf32, #tpu.memory_space<hbm>>
      %dma_start3A_127 = arith.constant 0 : i32
      %dma_start3A_128 = tpu.memref_slice %arg6[%add3A_122, %dma_start3A_127] : memref<256x21xf32, #tpu.memory_space<vmem>> -> memref<1x21xf32, #tpu.memory_space<vmem>>
      %dma_start3A_129 = arith.constant 0 : i32
      %dma_start3A_130 = tpu.memref_slice %arg3[%squeeze3A_118, %dma_start3A_129] : memref<2953495x21xf32, #tpu.memory_space<hbm>> -> memref<1x21xf32, #tpu.memory_space<hbm>>
      tpu.enqueue_dma source(%dma_start3A_130 : memref<1x21xf32, #tpu.memory_space<hbm>>) target(%dma_start3A_128 : memref<1x21xf32, #tpu.memory_space<vmem>>) target_semaphore(%arg7 : memref<!tpu.dma_semaphore, #tpu.memory_space<semaphore_mem>>)
      %slice3A_131 = vector.extract_strided_slice %get3A_35 {offsets = [7], sizes = [1], strides = [1]} : vector<16xi32> to vector<1xi32>
      %squeeze3A_132 = vector.extract %slice3A_131[0] : i32 from vector<1xi32>
      %mul3A_133 = arith.constant 16 : i32
      %mul3A_134 = arith.muli %scan3A_29, %mul3A_133 : i32
      %add3A_135 = arith.constant 7 : i32
      %add3A_136 = arith.addi %mul3A_134, %add3A_135 : i32
      %dma_start3A_137 = arith.constant 0 : i32
      %dma_start3A_138 = tpu.memref_slice %arg6[%add3A_136, %dma_start3A_137] : memref<256x21xf32, #tpu.memory_space<vmem>> -> memref<1x21xf32, #tpu.memory_space<vmem>>
      %dma_start3A_139 = arith.constant 0 : i32
      %dma_start3A_140 = tpu.memref_slice %arg3[%squeeze3A_132, %dma_start3A_139] : memref<2953495x21xf32, #tpu.memory_space<hbm>> -> memref<1x21xf32, #tpu.memory_space<hbm>>
      %dma_start3A_141 = arith.constant 0 : i32
      %dma_start3A_142 = tpu.memref_slice %arg6[%add3A_136, %dma_start3A_141] : memref<256x21xf32, #tpu.memory_space<vmem>> -> memref<1x21xf32, #tpu.memory_space<vmem>>
      %dma_start3A_143 = arith.constant 0 : i32
      %dma_start3A_144 = tpu.memref_slice %arg3[%squeeze3A_132, %dma_start3A_143] : memref<2953495x21xf32, #tpu.memory_space<hbm>> -> memref<1x21xf32, #tpu.memory_space<hbm>>
      tpu.enqueue_dma source(%dma_start3A_144 : memref<1x21xf32, #tpu.memory_space<hbm>>) target(%dma_start3A_142 : memref<1x21xf32, #tpu.memory_space<vmem>>) target_semaphore(%arg7 : memref<!tpu.dma_semaphore, #tpu.memory_space<semaphore_mem>>)
      %slice3A_145 = vector.extract_strided_slice %get3A_35 {offsets = [8], sizes = [1], strides = [1]} : vector<16xi32> to vector<1xi32>
      %squeeze3A_146 = vector.extract %slice3A_145[0] : i32 from vector<1xi32>
      %mul3A_147 = arith.constant 16 : i32
      %mul3A_148 = arith.muli %scan3A_29, %mul3A_147 : i32
      %add3A_149 = arith.constant 8 : i32
      %add3A_150 = arith.addi %mul3A_148, %add3A_149 : i32
      %dma_start3A_151 = arith.constant 0 : i32
      %dma_start3A_152 = tpu.memref_slice %arg6[%add3A_150, %dma_start3A_151] : memref<256x21xf32, #tpu.memory_space<vmem>> -> memref<1x21xf32, #tpu.memory_space<vmem>>
      %dma_start3A_153 = arith.constant 0 : i32
      %dma_start3A_154 = tpu.memref_slice %arg3[%squeeze3A_146, %dma_start3A_153] : memref<2953495x21xf32, #tpu.memory_space<hbm>> -> memref<1x21xf32, #tpu.memory_space<hbm>>
      %dma_start3A_155 = arith.constant 0 : i32
      %dma_start3A_156 = tpu.memref_slice %arg6[%add3A_150, %dma_start3A_155] : memref<256x21xf32, #tpu.memory_space<vmem>> -> memref<1x21xf32, #tpu.memory_space<vmem>>
      %dma_start3A_157 = arith.constant 0 : i32
      %dma_start3A_158 = tpu.memref_slice %arg3[%squeeze3A_146, %dma_start3A_157] : memref<2953495x21xf32, #tpu.memory_space<hbm>> -> memref<1x21xf32, #tpu.memory_space<hbm>>
      tpu.enqueue_dma source(%dma_start3A_158 : memref<1x21xf32, #tpu.memory_space<hbm>>) target(%dma_start3A_156 : memref<1x21xf32, #tpu.memory_space<vmem>>) target_semaphore(%arg7 : memref<!tpu.dma_semaphore, #tpu.memory_space<semaphore_mem>>)
      %slice3A_159 = vector.extract_strided_slice %get3A_35 {offsets = [9], sizes = [1], strides = [1]} : vector<16xi32> to vector<1xi32>
      %squeeze3A_160 = vector.extract %slice3A_159[0] : i32 from vector<1xi32>
      %mul3A_161 = arith.constant 16 : i32
      %mul3A_162 = arith.muli %scan3A_29, %mul3A_161 : i32
      %add3A_163 = arith.constant 9 : i32
      %add3A_164 = arith.addi %mul3A_162, %add3A_163 : i32
      %dma_start3A_165 = arith.constant 0 : i32
      %dma_start3A_166 = tpu.memref_slice %arg6[%add3A_164, %dma_start3A_165] : memref<256x21xf32, #tpu.memory_space<vmem>> -> memref<1x21xf32, #tpu.memory_space<vmem>>
      %dma_start3A_167 = arith.constant 0 : i32
      %dma_start3A_168 = tpu.memref_slice %arg3[%squeeze3A_160, %dma_start3A_167] : memref<2953495x21xf32, #tpu.memory_space<hbm>> -> memref<1x21xf32, #tpu.memory_space<hbm>>
      %dma_start3A_169 = arith.constant 0 : i32
      %dma_start3A_170 = tpu.memref_slice %arg6[%add3A_164, %dma_start3A_169] : memref<256x21xf32, #tpu.memory_space<vmem>> -> memref<1x21xf32, #tpu.memory_space<vmem>>
      %dma_start3A_171 = arith.constant 0 : i32
      %dma_start3A_172 = tpu.memref_slice %arg3[%squeeze3A_160, %dma_start3A_171] : memref<2953495x21xf32, #tpu.memory_space<hbm>> -> memref<1x21xf32, #tpu.memory_space<hbm>>
      tpu.enqueue_dma source(%dma_start3A_172 : memref<1x21xf32, #tpu.memory_space<hbm>>) target(%dma_start3A_170 : memref<1x21xf32, #tpu.memory_space<vmem>>) target_semaphore(%arg7 : memref<!tpu.dma_semaphore, #tpu.memory_space<semaphore_mem>>)
      %slice3A_173 = vector.extract_strided_slice %get3A_35 {offsets = [10], sizes = [1], strides = [1]} : vector<16xi32> to vector<1xi32>
      %squeeze3A_174 = vector.extract %slice3A_173[0] : i32 from vector<1xi32>
      %mul3A_175 = arith.constant 16 : i32
      %mul3A_176 = arith.muli %scan3A_29, %mul3A_175 : i32
      %add3A_177 = arith.constant 10 : i32
      %add3A_178 = arith.addi %mul3A_176, %add3A_177 : i32
      %dma_start3A_179 = arith.constant 0 : i32
      %dma_start3A_180 = tpu.memref_slice %arg6[%add3A_178, %dma_start3A_179] : memref<256x21xf32, #tpu.memory_space<vmem>> -> memref<1x21xf32, #tpu.memory_space<vmem>>
      %dma_start3A_181 = arith.constant 0 : i32
      %dma_start3A_182 = tpu.memref_slice %arg3[%squeeze3A_174, %dma_start3A_181] : memref<2953495x21xf32, #tpu.memory_space<hbm>> -> memref<1x21xf32, #tpu.memory_space<hbm>>
      %dma_start3A_183 = arith.constant 0 : i32
      %dma_start3A_184 = tpu.memref_slice %arg6[%add3A_178, %dma_start3A_183] : memref<256x21xf32, #tpu.memory_space<vmem>> -> memref<1x21xf32, #tpu.memory_space<vmem>>
      %dma_start3A_185 = arith.constant 0 : i32
      %dma_start3A_186 = tpu.memref_slice %arg3[%squeeze3A_174, %dma_start3A_185] : memref<2953495x21xf32, #tpu.memory_space<hbm>> -> memref<1x21xf32, #tpu.memory_space<hbm>>
      tpu.enqueue_dma source(%dma_start3A_186 : memref<1x21xf32, #tpu.memory_space<hbm>>) target(%dma_start3A_184 : memref<1x21xf32, #tpu.memory_space<vmem>>) target_semaphore(%arg7 : memref<!tpu.dma_semaphore, #tpu.memory_space<semaphore_mem>>)
      %slice3A_187 = vector.extract_strided_slice %get3A_35 {offsets = [11], sizes = [1], strides = [1]} : vector<16xi32> to vector<1xi32>
      %squeeze3A_188 = vector.extract %slice3A_187[0] : i32 from vector<1xi32>
      %mul3A_189 = arith.constant 16 : i32
      %mul3A_190 = arith.muli %scan3A_29, %mul3A_189 : i32
      %add3A_191 = arith.constant 11 : i32
      %add3A_192 = arith.addi %mul3A_190, %add3A_191 : i32
      %dma_start3A_193 = arith.constant 0 : i32
      %dma_start3A_194 = tpu.memref_slice %arg6[%add3A_192, %dma_start3A_193] : memref<256x21xf32, #tpu.memory_space<vmem>> -> memref<1x21xf32, #tpu.memory_space<vmem>>
      %dma_start3A_195 = arith.constant 0 : i32
      %dma_start3A_196 = tpu.memref_slice %arg3[%squeeze3A_188, %dma_start3A_195] : memref<2953495x21xf32, #tpu.memory_space<hbm>> -> memref<1x21xf32, #tpu.memory_space<hbm>>
      %dma_start3A_197 = arith.constant 0 : i32
      %dma_start3A_198 = tpu.memref_slice %arg6[%add3A_192, %dma_start3A_197] : memref<256x21xf32, #tpu.memory_space<vmem>> -> memref<1x21xf32, #tpu.memory_space<vmem>>
      %dma_start3A_199 = arith.constant 0 : i32
      %dma_start3A_200 = tpu.memref_slice %arg3[%squeeze3A_188, %dma_start3A_199] : memref<2953495x21xf32, #tpu.memory_space<hbm>> -> memref<1x21xf32, #tpu.memory_space<hbm>>
      tpu.enqueue_dma source(%dma_start3A_200 : memref<1x21xf32, #tpu.memory_space<hbm>>) target(%dma_start3A_198 : memref<1x21xf32, #tpu.memory_space<vmem>>) target_semaphore(%arg7 : memref<!tpu.dma_semaphore, #tpu.memory_space<semaphore_mem>>)
      %slice3A_201 = vector.extract_strided_slice %get3A_35 {offsets = [12], sizes = [1], strides = [1]} : vector<16xi32> to vector<1xi32>
      %squeeze3A_202 = vector.extract %slice3A_201[0] : i32 from vector<1xi32>
      %mul3A_203 = arith.constant 16 : i32
      %mul3A_204 = arith.muli %scan3A_29, %mul3A_203 : i32
      %add3A_205 = arith.constant 12 : i32
      %add3A_206 = arith.addi %mul3A_204, %add3A_205 : i32
      %dma_start3A_207 = arith.constant 0 : i32
      %dma_start3A_208 = tpu.memref_slice %arg6[%add3A_206, %dma_start3A_207] : memref<256x21xf32, #tpu.memory_space<vmem>> -> memref<1x21xf32, #tpu.memory_space<vmem>>
      %dma_start3A_209 = arith.constant 0 : i32
      %dma_start3A_210 = tpu.memref_slice %arg3[%squeeze3A_202, %dma_start3A_209] : memref<2953495x21xf32, #tpu.memory_space<hbm>> -> memref<1x21xf32, #tpu.memory_space<hbm>>
      %dma_start3A_211 = arith.constant 0 : i32
      %dma_start3A_212 = tpu.memref_slice %arg6[%add3A_206, %dma_start3A_211] : memref<256x21xf32, #tpu.memory_space<vmem>> -> memref<1x21xf32, #tpu.memory_space<vmem>>
      %dma_start3A_213 = arith.constant 0 : i32
      %dma_start3A_214 = tpu.memref_slice %arg3[%squeeze3A_202, %dma_start3A_213] : memref<2953495x21xf32, #tpu.memory_space<hbm>> -> memref<1x21xf32, #tpu.memory_space<hbm>>
      tpu.enqueue_dma source(%dma_start3A_214 : memref<1x21xf32, #tpu.memory_space<hbm>>) target(%dma_start3A_212 : memref<1x21xf32, #tpu.memory_space<vmem>>) target_semaphore(%arg7 : memref<!tpu.dma_semaphore, #tpu.memory_space<semaphore_mem>>)
      %slice3A_215 = vector.extract_strided_slice %get3A_35 {offsets = [13], sizes = [1], strides = [1]} : vector<16xi32> to vector<1xi32>
      %squeeze3A_216 = vector.extract %slice3A_215[0] : i32 from vector<1xi32>
      %mul3A_217 = arith.constant 16 : i32
      %mul3A_218 = arith.muli %scan3A_29, %mul3A_217 : i32
      %add3A_219 = arith.constant 13 : i32
      %add3A_220 = arith.addi %mul3A_218, %add3A_219 : i32
      %dma_start3A_221 = arith.constant 0 : i32
      %dma_start3A_222 = tpu.memref_slice %arg6[%add3A_220, %dma_start3A_221] : memref<256x21xf32, #tpu.memory_space<vmem>> -> memref<1x21xf32, #tpu.memory_space<vmem>>
      %dma_start3A_223 = arith.constant 0 : i32
      %dma_start3A_224 = tpu.memref_slice %arg3[%squeeze3A_216, %dma_start3A_223] : memref<2953495x21xf32, #tpu.memory_space<hbm>> -> memref<1x21xf32, #tpu.memory_space<hbm>>
      %dma_start3A_225 = arith.constant 0 : i32
      %dma_start3A_226 = tpu.memref_slice %arg6[%add3A_220, %dma_start3A_225] : memref<256x21xf32, #tpu.memory_space<vmem>> -> memref<1x21xf32, #tpu.memory_space<vmem>>
      %dma_start3A_227 = arith.constant 0 : i32
      %dma_start3A_228 = tpu.memref_slice %arg3[%squeeze3A_216, %dma_start3A_227] : memref<2953495x21xf32, #tpu.memory_space<hbm>> -> memref<1x21xf32, #tpu.memory_space<hbm>>
      tpu.enqueue_dma source(%dma_start3A_228 : memref<1x21xf32, #tpu.memory_space<hbm>>) target(%dma_start3A_226 : memref<1x21xf32, #tpu.memory_space<vmem>>) target_semaphore(%arg7 : memref<!tpu.dma_semaphore, #tpu.memory_space<semaphore_mem>>)
      %slice3A_229 = vector.extract_strided_slice %get3A_35 {offsets = [14], sizes = [1], strides = [1]} : vector<16xi32> to vector<1xi32>
      %squeeze3A_230 = vector.extract %slice3A_229[0] : i32 from vector<1xi32>
      %mul3A_231 = arith.constant 16 : i32
      %mul3A_232 = arith.muli %scan3A_29, %mul3A_231 : i32
      %add3A_233 = arith.constant 14 : i32
      %add3A_234 = arith.addi %mul3A_232, %add3A_233 : i32
      %dma_start3A_235 = arith.constant 0 : i32
      %dma_start3A_236 = tpu.memref_slice %arg6[%add3A_234, %dma_start3A_235] : memref<256x21xf32, #tpu.memory_space<vmem>> -> memref<1x21xf32, #tpu.memory_space<vmem>>
      %dma_start3A_237 = arith.constant 0 : i32
      %dma_start3A_238 = tpu.memref_slice %arg3[%squeeze3A_230, %dma_start3A_237] : memref<2953495x21xf32, #tpu.memory_space<hbm>> -> memref<1x21xf32, #tpu.memory_space<hbm>>
      %dma_start3A_239 = arith.constant 0 : i32
      %dma_start3A_240 = tpu.memref_slice %arg6[%add3A_234, %dma_start3A_239] : memref<256x21xf32, #tpu.memory_space<vmem>> -> memref<1x21xf32, #tpu.memory_space<vmem>>
      %dma_start3A_241 = arith.constant 0 : i32
      %dma_start3A_242 = tpu.memref_slice %arg3[%squeeze3A_230, %dma_start3A_241] : memref<2953495x21xf32, #tpu.memory_space<hbm>> -> memref<1x21xf32, #tpu.memory_space<hbm>>
      tpu.enqueue_dma source(%dma_start3A_242 : memref<1x21xf32, #tpu.memory_space<hbm>>) target(%dma_start3A_240 : memref<1x21xf32, #tpu.memory_space<vmem>>) target_semaphore(%arg7 : memref<!tpu.dma_semaphore, #tpu.memory_space<semaphore_mem>>)
      %slice3A_243 = vector.extract_strided_slice %get3A_35 {offsets = [15], sizes = [1], strides = [1]} : vector<16xi32> to vector<1xi32>
      %squeeze3A_244 = vector.extract %slice3A_243[0] : i32 from vector<1xi32>
      %mul3A_245 = arith.constant 16 : i32
      %mul3A_246 = arith.muli %scan3A_29, %mul3A_245 : i32
      %add3A_247 = arith.constant 15 : i32
      %add3A_248 = arith.addi %mul3A_246, %add3A_247 : i32
      %dma_start3A_249 = arith.constant 0 : i32
      %dma_start3A_250 = tpu.memref_slice %arg6[%add3A_248, %dma_start3A_249] : memref<256x21xf32, #tpu.memory_space<vmem>> -> memref<1x21xf32, #tpu.memory_space<vmem>>
      %dma_start3A_251 = arith.constant 0 : i32
      %dma_start3A_252 = tpu.memref_slice %arg3[%squeeze3A_244, %dma_start3A_251] : memref<2953495x21xf32, #tpu.memory_space<hbm>> -> memref<1x21xf32, #tpu.memory_space<hbm>>
      %dma_start3A_253 = arith.constant 0 : i32
      %dma_start3A_254 = tpu.memref_slice %arg6[%add3A_248, %dma_start3A_253] : memref<256x21xf32, #tpu.memory_space<vmem>> -> memref<1x21xf32, #tpu.memory_space<vmem>>
      %dma_start3A_255 = arith.constant 0 : i32
      %dma_start3A_256 = tpu.memref_slice %arg3[%squeeze3A_244, %dma_start3A_255] : memref<2953495x21xf32, #tpu.memory_space<hbm>> -> memref<1x21xf32, #tpu.memory_space<hbm>>
      tpu.enqueue_dma source(%dma_start3A_256 : memref<1x21xf32, #tpu.memory_space<hbm>>) target(%dma_start3A_254 : memref<1x21xf32, #tpu.memory_space<vmem>>) target_semaphore(%arg7 : memref<!tpu.dma_semaphore, #tpu.memory_space<semaphore_mem>>)
    }
    %scan3A_20 = arith.constant 16 : i32
    %dma_wait3A_21 = arith.constant 0 : i32
    %dma_wait3A_22 = arith.constant 0 : i32
    %dma_wait3A_23 = tpu.memref_slice %arg4[%dma_wait3A_21, %dma_wait3A_22] : memref<16384x21xf32, #tpu.memory_space<hbm>> -> memref<256x21xf32, #tpu.memory_space<hbm>>
    %dma_wait3A_24 = arith.constant 0 : i32
    %dma_wait3A_25 = arith.constant 0 : i32
    %dma_wait3A_26 = tpu.memref_slice %arg4[%dma_wait3A_24, %dma_wait3A_25] : memref<16384x21xf32, #tpu.memory_space<hbm>> -> memref<256x21xf32, #tpu.memory_space<hbm>>
    tpu.wait_dma2 semaphore(%arg7 : memref<!tpu.dma_semaphore, #tpu.memory_space<semaphore_mem>>) src(%dma_wait3A_26 : memref<256x21xf32, #tpu.memory_space<hbm>>) dst(%arg6 : memref<256x21xf32, #tpu.memory_space<vmem>>)
    %add3A_27 = arith.constant 256 : i32
    %add3A_28 = arith.addi %mul3A_2, %add3A_27 : i32
    "tpu.region"() ({
      %run_scoped3A = tpu.sem_alloc : memref<!tpu.dma_semaphore, #tpu.memory_space<semaphore_mem>>
      %dma_start3A = arith.constant 0 : i32
      %dma_start3A_29 = tpu.memref_slice %arg4[%add3A_28, %dma_start3A] : memref<16384x21xf32, #tpu.memory_space<hbm>> -> memref<256x21xf32, #tpu.memory_space<hbm>>
      %dma_start3A_30 = arith.constant 0 : i32
      %dma_start3A_31 = tpu.memref_slice %arg4[%add3A_28, %dma_start3A_30] : memref<16384x21xf32, #tpu.memory_space<hbm>> -> memref<256x21xf32, #tpu.memory_space<hbm>>
      tpu.enqueue_dma source(%arg6 : memref<256x21xf32, #tpu.memory_space<vmem>>) target(%dma_start3A_31 : memref<256x21xf32, #tpu.memory_space<hbm>>) target_semaphore(%run_scoped3A : memref<!tpu.dma_semaphore, #tpu.memory_space<semaphore_mem>>)
      %dma_wait3A_32 = arith.constant 0 : i32
      %dma_wait3A_33 = tpu.memref_slice %arg4[%add3A_28, %dma_wait3A_32] : memref<16384x21xf32, #tpu.memory_space<hbm>> -> memref<256x21xf32, #tpu.memory_space<hbm>>
      %dma_wait3A_34 = arith.constant 0 : i32
      %dma_wait3A_35 = tpu.memref_slice %arg4[%add3A_28, %dma_wait3A_34] : memref<16384x21xf32, #tpu.memory_space<hbm>> -> memref<256x21xf32, #tpu.memory_space<hbm>>
      tpu.wait_dma2 semaphore(%run_scoped3A : memref<!tpu.dma_semaphore, #tpu.memory_space<semaphore_mem>>) src(%arg6 : memref<256x21xf32, #tpu.memory_space<vmem>>) dst(%dma_wait3A_35 : memref<256x21xf32, #tpu.memory_space<hbm>>)
      tpu.yield
    }) : () -> ()
    return
  }
}

#map = affine_map<(d0, d1) -> (0, 0)>
#map1 = affine_map<(d0, d1) -> (0)>
module attributes {stable_mosaic.version = 14 : i64} {
  func.func @k(%arg0: i32, %arg1: i32, %arg2: memref<32x512xi32, #tpu.memory_space<hbm>>, %arg3: memref<4792320xf32, #tpu.memory_space<hbm>>, %arg4: memref<32x9216xf32, #tpu.memory_space<hbm>>, %arg5: memref<512xi32, #tpu.memory_space<vmem>>, %arg6: memref<9216xi32, #tpu.memory_space<vmem>>, %arg7: memref<9216xf32, #tpu.memory_space<vmem>>, %arg8: memref<!tpu.dma_semaphore, #tpu.memory_space<semaphore_mem>>) attributes {dimension_semantics = [#tpu.dimension_semantics<core_parallel>, #tpu.dimension_semantics<subcore_parallel>], iteration_bounds = array<i64: 2, 16>, scalar_prefetch = 0 : i64, scratch_operands = 4 : i64, tpu.core_type = #tpu.core_type<sc_vector_subcore>, window_params = [{transform_indices = #map}, {transform_indices = #map1}, {transform_indices = #map}]} {
    %mul3A = arith.constant 2 : i32
    %mul3A_0 = arith.muli %arg1, %mul3A : i32
    %add3A = arith.addi %mul3A_0, %arg0 : i32
    "tpu.region"() ({
      %run_scoped3A = tpu.sem_alloc : memref<!tpu.dma_semaphore, #tpu.memory_space<semaphore_mem>>
      %dma_start3A_8 = arith.constant 0 : i32
      %dma_start3A_9 = tpu.memref_slice %arg2[%add3A, %dma_start3A_8] : memref<32x512xi32, #tpu.memory_space<hbm>> -> memref<1x512xi32, #tpu.memory_space<hbm>>
      %dma_start3A_10 = tpu.memref_squeeze %dma_start3A_9 : memref<1x512xi32, #tpu.memory_space<hbm>> -> memref<512xi32, #tpu.memory_space<hbm>>
      %dma_start3A_11 = arith.constant 0 : i32
      %dma_start3A_12 = tpu.memref_slice %arg2[%add3A, %dma_start3A_11] : memref<32x512xi32, #tpu.memory_space<hbm>> -> memref<1x512xi32, #tpu.memory_space<hbm>>
      %dma_start3A_13 = tpu.memref_squeeze %dma_start3A_12 : memref<1x512xi32, #tpu.memory_space<hbm>> -> memref<512xi32, #tpu.memory_space<hbm>>
      tpu.enqueue_dma source(%dma_start3A_13 : memref<512xi32, #tpu.memory_space<hbm>>) target(%arg5 : memref<512xi32, #tpu.memory_space<vmem>>) target_semaphore(%run_scoped3A : memref<!tpu.dma_semaphore, #tpu.memory_space<semaphore_mem>>)
      %dma_wait3A_14 = arith.constant 0 : i32
      %dma_wait3A_15 = tpu.memref_slice %arg2[%add3A, %dma_wait3A_14] : memref<32x512xi32, #tpu.memory_space<hbm>> -> memref<1x512xi32, #tpu.memory_space<hbm>>
      %dma_wait3A_16 = tpu.memref_squeeze %dma_wait3A_15 : memref<1x512xi32, #tpu.memory_space<hbm>> -> memref<512xi32, #tpu.memory_space<hbm>>
      %dma_wait3A_17 = arith.constant 0 : i32
      %dma_wait3A_18 = tpu.memref_slice %arg2[%add3A, %dma_wait3A_17] : memref<32x512xi32, #tpu.memory_space<hbm>> -> memref<1x512xi32, #tpu.memory_space<hbm>>
      %dma_wait3A_19 = tpu.memref_squeeze %dma_wait3A_18 : memref<1x512xi32, #tpu.memory_space<hbm>> -> memref<512xi32, #tpu.memory_space<hbm>>
      tpu.wait_dma2 semaphore(%run_scoped3A : memref<!tpu.dma_semaphore, #tpu.memory_space<semaphore_mem>>) src(%dma_wait3A_19 : memref<512xi32, #tpu.memory_space<hbm>>) dst(%arg5 : memref<512xi32, #tpu.memory_space<vmem>>)
      tpu.yield
    }) : () -> ()
    %scan3A = arith.constant 0 : i32
    %scan3A_1 = arith.constant 0 : i32
    %scan3A_2 = arith.constant 32 : i32
    %scan3A_3 = arith.addi %scan3A_1, %scan3A_2 : i32
    %scan3A_4 = arith.constant 1 : i32
    scf.for %scan3A_8 = %scan3A_1 to %scan3A_3 step %scan3A_4  : i32 {
      %mul3A_9 = arith.constant 16 : i32
      %mul3A_10 = arith.muli %scan3A_8, %mul3A_9 : i32
      %get3A = arith.index_cast %mul3A_10 : i32 to index
      %get3A_11 = tpu.vector_load %arg5[%get3A] {strides = array<i32>} : memref<512xi32, #tpu.memory_space<vmem>>, vector<16xi32>,
      %get3A_12 = vector.shape_cast %get3A_11 : vector<16xi32> to vector<16xi32>
      %shift_right_arithmetic3A = arith.constant 12 : i32
      %shift_right_arithmetic3A_13 = vector.broadcast %shift_right_arithmetic3A : i32 to vector<16xi32>
      %shift_right_arithmetic3A_14 = arith.shrsi %get3A_12, %shift_right_arithmetic3A_13 : vector<16xi32>
      %mul3A_15 = arith.constant 73728 : i32
      %mul3A_16 = vector.broadcast %mul3A_15 : i32 to vector<16xi32>
      %mul3A_17 = arith.muli %shift_right_arithmetic3A_14, %mul3A_16 : vector<16xi32>
      %and3A = arith.constant 4095 : i32
      %and3A_18 = vector.broadcast %and3A : i32 to vector<16xi32>
      %and3A_19 = arith.andi %get3A_12, %and3A_18 : vector<16xi32>
      %add3A_20 = arith.addi %mul3A_17, %and3A_19 : vector<16xi32>
      %add3A_21 = arith.constant 0 : i32
      %add3A_22 = vector.broadcast %add3A_21 : i32 to vector<16xi32>
      %add3A_23 = arith.addi %add3A_20, %add3A_22 : vector<16xi32>
      %mul3A_24 = arith.constant 16 : i32
      %mul3A_25 = arith.muli %scan3A_8, %mul3A_24 : i32
      %add3A_26 = arith.constant 0 : i32
      %add3A_27 = arith.addi %add3A_26, %mul3A_25 : i32
      %swap3A = arith.index_cast %add3A_27 : i32 to index
      %swap3A_28 = tpu.vector_load %arg6[%swap3A] {strides = array<i32>} : memref<9216xi32, #tpu.memory_space<vmem>>, vector<16xi32>,
      %swap3A_29 = vector.shape_cast %swap3A_28 : vector<16xi32> to vector<16xi32>
      %swap3A_30 = vector.shape_cast %add3A_23 : vector<16xi32> to vector<16xi32>
      tpu.vector_store %arg6[%swap3A], %swap3A_30 {strides = array<i32>} : memref<9216xi32, #tpu.memory_space<vmem>>, vector<16xi32>,
      %add3A_31 = arith.constant 4096 : i32
      %add3A_32 = vector.broadcast %add3A_31 : i32 to vector<16xi32>
      %add3A_33 = arith.addi %add3A_20, %add3A_32 : vector<16xi32>
      %mul3A_34 = arith.constant 16 : i32
      %mul3A_35 = arith.muli %scan3A_8, %mul3A_34 : i32
      %add3A_36 = arith.constant 512 : i32
      %add3A_37 = arith.addi %add3A_36, %mul3A_35 : i32
      %swap3A_38 = arith.index_cast %add3A_37 : i32 to index
      %swap3A_39 = tpu.vector_load %arg6[%swap3A_38] {strides = array<i32>} : memref<9216xi32, #tpu.memory_space<vmem>>, vector<16xi32>,
      %swap3A_40 = vector.shape_cast %swap3A_39 : vector<16xi32> to vector<16xi32>
      %swap3A_41 = vector.shape_cast %add3A_33 : vector<16xi32> to vector<16xi32>
      tpu.vector_store %arg6[%swap3A_38], %swap3A_41 {strides = array<i32>} : memref<9216xi32, #tpu.memory_space<vmem>>, vector<16xi32>,
      %add3A_42 = arith.constant 8192 : i32
      %add3A_43 = vector.broadcast %add3A_42 : i32 to vector<16xi32>
      %add3A_44 = arith.addi %add3A_20, %add3A_43 : vector<16xi32>
      %mul3A_45 = arith.constant 16 : i32
      %mul3A_46 = arith.muli %scan3A_8, %mul3A_45 : i32
      %add3A_47 = arith.constant 1024 : i32
      %add3A_48 = arith.addi %add3A_47, %mul3A_46 : i32
      %swap3A_49 = arith.index_cast %add3A_48 : i32 to index
      %swap3A_50 = tpu.vector_load %arg6[%swap3A_49] {strides = array<i32>} : memref<9216xi32, #tpu.memory_space<vmem>>, vector<16xi32>,
      %swap3A_51 = vector.shape_cast %swap3A_50 : vector<16xi32> to vector<16xi32>
      %swap3A_52 = vector.shape_cast %add3A_44 : vector<16xi32> to vector<16xi32>
      tpu.vector_store %arg6[%swap3A_49], %swap3A_52 {strides = array<i32>} : memref<9216xi32, #tpu.memory_space<vmem>>, vector<16xi32>,
      %add3A_53 = arith.constant 12288 : i32
      %add3A_54 = vector.broadcast %add3A_53 : i32 to vector<16xi32>
      %add3A_55 = arith.addi %add3A_20, %add3A_54 : vector<16xi32>
      %mul3A_56 = arith.constant 16 : i32
      %mul3A_57 = arith.muli %scan3A_8, %mul3A_56 : i32
      %add3A_58 = arith.constant 1536 : i32
      %add3A_59 = arith.addi %add3A_58, %mul3A_57 : i32
      %swap3A_60 = arith.index_cast %add3A_59 : i32 to index
      %swap3A_61 = tpu.vector_load %arg6[%swap3A_60] {strides = array<i32>} : memref<9216xi32, #tpu.memory_space<vmem>>, vector<16xi32>,
      %swap3A_62 = vector.shape_cast %swap3A_61 : vector<16xi32> to vector<16xi32>
      %swap3A_63 = vector.shape_cast %add3A_55 : vector<16xi32> to vector<16xi32>
      tpu.vector_store %arg6[%swap3A_60], %swap3A_63 {strides = array<i32>} : memref<9216xi32, #tpu.memory_space<vmem>>, vector<16xi32>,
      %add3A_64 = arith.constant 16384 : i32
      %add3A_65 = vector.broadcast %add3A_64 : i32 to vector<16xi32>
      %add3A_66 = arith.addi %add3A_20, %add3A_65 : vector<16xi32>
      %mul3A_67 = arith.constant 16 : i32
      %mul3A_68 = arith.muli %scan3A_8, %mul3A_67 : i32
      %add3A_69 = arith.constant 2048 : i32
      %add3A_70 = arith.addi %add3A_69, %mul3A_68 : i32
      %swap3A_71 = arith.index_cast %add3A_70 : i32 to index
      %swap3A_72 = tpu.vector_load %arg6[%swap3A_71] {strides = array<i32>} : memref<9216xi32, #tpu.memory_space<vmem>>, vector<16xi32>,
      %swap3A_73 = vector.shape_cast %swap3A_72 : vector<16xi32> to vector<16xi32>
      %swap3A_74 = vector.shape_cast %add3A_66 : vector<16xi32> to vector<16xi32>
      tpu.vector_store %arg6[%swap3A_71], %swap3A_74 {strides = array<i32>} : memref<9216xi32, #tpu.memory_space<vmem>>, vector<16xi32>,
      %add3A_75 = arith.constant 20480 : i32
      %add3A_76 = vector.broadcast %add3A_75 : i32 to vector<16xi32>
      %add3A_77 = arith.addi %add3A_20, %add3A_76 : vector<16xi32>
      %mul3A_78 = arith.constant 16 : i32
      %mul3A_79 = arith.muli %scan3A_8, %mul3A_78 : i32
      %add3A_80 = arith.constant 2560 : i32
      %add3A_81 = arith.addi %add3A_80, %mul3A_79 : i32
      %swap3A_82 = arith.index_cast %add3A_81 : i32 to index
      %swap3A_83 = tpu.vector_load %arg6[%swap3A_82] {strides = array<i32>} : memref<9216xi32, #tpu.memory_space<vmem>>, vector<16xi32>,
      %swap3A_84 = vector.shape_cast %swap3A_83 : vector<16xi32> to vector<16xi32>
      %swap3A_85 = vector.shape_cast %add3A_77 : vector<16xi32> to vector<16xi32>
      tpu.vector_store %arg6[%swap3A_82], %swap3A_85 {strides = array<i32>} : memref<9216xi32, #tpu.memory_space<vmem>>, vector<16xi32>,
      %add3A_86 = arith.constant 24576 : i32
      %add3A_87 = vector.broadcast %add3A_86 : i32 to vector<16xi32>
      %add3A_88 = arith.addi %add3A_20, %add3A_87 : vector<16xi32>
      %mul3A_89 = arith.constant 16 : i32
      %mul3A_90 = arith.muli %scan3A_8, %mul3A_89 : i32
      %add3A_91 = arith.constant 3072 : i32
      %add3A_92 = arith.addi %add3A_91, %mul3A_90 : i32
      %swap3A_93 = arith.index_cast %add3A_92 : i32 to index
      %swap3A_94 = tpu.vector_load %arg6[%swap3A_93] {strides = array<i32>} : memref<9216xi32, #tpu.memory_space<vmem>>, vector<16xi32>,
      %swap3A_95 = vector.shape_cast %swap3A_94 : vector<16xi32> to vector<16xi32>
      %swap3A_96 = vector.shape_cast %add3A_88 : vector<16xi32> to vector<16xi32>
      tpu.vector_store %arg6[%swap3A_93], %swap3A_96 {strides = array<i32>} : memref<9216xi32, #tpu.memory_space<vmem>>, vector<16xi32>,
      %add3A_97 = arith.constant 28672 : i32
      %add3A_98 = vector.broadcast %add3A_97 : i32 to vector<16xi32>
      %add3A_99 = arith.addi %add3A_20, %add3A_98 : vector<16xi32>
      %mul3A_100 = arith.constant 16 : i32
      %mul3A_101 = arith.muli %scan3A_8, %mul3A_100 : i32
      %add3A_102 = arith.constant 3584 : i32
      %add3A_103 = arith.addi %add3A_102, %mul3A_101 : i32
      %swap3A_104 = arith.index_cast %add3A_103 : i32 to index
      %swap3A_105 = tpu.vector_load %arg6[%swap3A_104] {strides = array<i32>} : memref<9216xi32, #tpu.memory_space<vmem>>, vector<16xi32>,
      %swap3A_106 = vector.shape_cast %swap3A_105 : vector<16xi32> to vector<16xi32>
      %swap3A_107 = vector.shape_cast %add3A_99 : vector<16xi32> to vector<16xi32>
      tpu.vector_store %arg6[%swap3A_104], %swap3A_107 {strides = array<i32>} : memref<9216xi32, #tpu.memory_space<vmem>>, vector<16xi32>,
      %add3A_108 = arith.constant 32768 : i32
      %add3A_109 = vector.broadcast %add3A_108 : i32 to vector<16xi32>
      %add3A_110 = arith.addi %add3A_20, %add3A_109 : vector<16xi32>
      %mul3A_111 = arith.constant 16 : i32
      %mul3A_112 = arith.muli %scan3A_8, %mul3A_111 : i32
      %add3A_113 = arith.constant 4096 : i32
      %add3A_114 = arith.addi %add3A_113, %mul3A_112 : i32
      %swap3A_115 = arith.index_cast %add3A_114 : i32 to index
      %swap3A_116 = tpu.vector_load %arg6[%swap3A_115] {strides = array<i32>} : memref<9216xi32, #tpu.memory_space<vmem>>, vector<16xi32>,
      %swap3A_117 = vector.shape_cast %swap3A_116 : vector<16xi32> to vector<16xi32>
      %swap3A_118 = vector.shape_cast %add3A_110 : vector<16xi32> to vector<16xi32>
      tpu.vector_store %arg6[%swap3A_115], %swap3A_118 {strides = array<i32>} : memref<9216xi32, #tpu.memory_space<vmem>>, vector<16xi32>,
      %add3A_119 = arith.constant 36864 : i32
      %add3A_120 = vector.broadcast %add3A_119 : i32 to vector<16xi32>
      %add3A_121 = arith.addi %add3A_20, %add3A_120 : vector<16xi32>
      %mul3A_122 = arith.constant 16 : i32
      %mul3A_123 = arith.muli %scan3A_8, %mul3A_122 : i32
      %add3A_124 = arith.constant 4608 : i32
      %add3A_125 = arith.addi %add3A_124, %mul3A_123 : i32
      %swap3A_126 = arith.index_cast %add3A_125 : i32 to index
      %swap3A_127 = tpu.vector_load %arg6[%swap3A_126] {strides = array<i32>} : memref<9216xi32, #tpu.memory_space<vmem>>, vector<16xi32>,
      %swap3A_128 = vector.shape_cast %swap3A_127 : vector<16xi32> to vector<16xi32>
      %swap3A_129 = vector.shape_cast %add3A_121 : vector<16xi32> to vector<16xi32>
      tpu.vector_store %arg6[%swap3A_126], %swap3A_129 {strides = array<i32>} : memref<9216xi32, #tpu.memory_space<vmem>>, vector<16xi32>,
      %add3A_130 = arith.constant 40960 : i32
      %add3A_131 = vector.broadcast %add3A_130 : i32 to vector<16xi32>
      %add3A_132 = arith.addi %add3A_20, %add3A_131 : vector<16xi32>
      %mul3A_133 = arith.constant 16 : i32
      %mul3A_134 = arith.muli %scan3A_8, %mul3A_133 : i32
      %add3A_135 = arith.constant 5120 : i32
      %add3A_136 = arith.addi %add3A_135, %mul3A_134 : i32
      %swap3A_137 = arith.index_cast %add3A_136 : i32 to index
      %swap3A_138 = tpu.vector_load %arg6[%swap3A_137] {strides = array<i32>} : memref<9216xi32, #tpu.memory_space<vmem>>, vector<16xi32>,
      %swap3A_139 = vector.shape_cast %swap3A_138 : vector<16xi32> to vector<16xi32>
      %swap3A_140 = vector.shape_cast %add3A_132 : vector<16xi32> to vector<16xi32>
      tpu.vector_store %arg6[%swap3A_137], %swap3A_140 {strides = array<i32>} : memref<9216xi32, #tpu.memory_space<vmem>>, vector<16xi32>,
      %add3A_141 = arith.constant 45056 : i32
      %add3A_142 = vector.broadcast %add3A_141 : i32 to vector<16xi32>
      %add3A_143 = arith.addi %add3A_20, %add3A_142 : vector<16xi32>
      %mul3A_144 = arith.constant 16 : i32
      %mul3A_145 = arith.muli %scan3A_8, %mul3A_144 : i32
      %add3A_146 = arith.constant 5632 : i32
      %add3A_147 = arith.addi %add3A_146, %mul3A_145 : i32
      %swap3A_148 = arith.index_cast %add3A_147 : i32 to index
      %swap3A_149 = tpu.vector_load %arg6[%swap3A_148] {strides = array<i32>} : memref<9216xi32, #tpu.memory_space<vmem>>, vector<16xi32>,
      %swap3A_150 = vector.shape_cast %swap3A_149 : vector<16xi32> to vector<16xi32>
      %swap3A_151 = vector.shape_cast %add3A_143 : vector<16xi32> to vector<16xi32>
      tpu.vector_store %arg6[%swap3A_148], %swap3A_151 {strides = array<i32>} : memref<9216xi32, #tpu.memory_space<vmem>>, vector<16xi32>,
      %add3A_152 = arith.constant 49152 : i32
      %add3A_153 = vector.broadcast %add3A_152 : i32 to vector<16xi32>
      %add3A_154 = arith.addi %add3A_20, %add3A_153 : vector<16xi32>
      %mul3A_155 = arith.constant 16 : i32
      %mul3A_156 = arith.muli %scan3A_8, %mul3A_155 : i32
      %add3A_157 = arith.constant 6144 : i32
      %add3A_158 = arith.addi %add3A_157, %mul3A_156 : i32
      %swap3A_159 = arith.index_cast %add3A_158 : i32 to index
      %swap3A_160 = tpu.vector_load %arg6[%swap3A_159] {strides = array<i32>} : memref<9216xi32, #tpu.memory_space<vmem>>, vector<16xi32>,
      %swap3A_161 = vector.shape_cast %swap3A_160 : vector<16xi32> to vector<16xi32>
      %swap3A_162 = vector.shape_cast %add3A_154 : vector<16xi32> to vector<16xi32>
      tpu.vector_store %arg6[%swap3A_159], %swap3A_162 {strides = array<i32>} : memref<9216xi32, #tpu.memory_space<vmem>>, vector<16xi32>,
      %add3A_163 = arith.constant 53248 : i32
      %add3A_164 = vector.broadcast %add3A_163 : i32 to vector<16xi32>
      %add3A_165 = arith.addi %add3A_20, %add3A_164 : vector<16xi32>
      %mul3A_166 = arith.constant 16 : i32
      %mul3A_167 = arith.muli %scan3A_8, %mul3A_166 : i32
      %add3A_168 = arith.constant 6656 : i32
      %add3A_169 = arith.addi %add3A_168, %mul3A_167 : i32
      %swap3A_170 = arith.index_cast %add3A_169 : i32 to index
      %swap3A_171 = tpu.vector_load %arg6[%swap3A_170] {strides = array<i32>} : memref<9216xi32, #tpu.memory_space<vmem>>, vector<16xi32>,
      %swap3A_172 = vector.shape_cast %swap3A_171 : vector<16xi32> to vector<16xi32>
      %swap3A_173 = vector.shape_cast %add3A_165 : vector<16xi32> to vector<16xi32>
      tpu.vector_store %arg6[%swap3A_170], %swap3A_173 {strides = array<i32>} : memref<9216xi32, #tpu.memory_space<vmem>>, vector<16xi32>,
      %add3A_174 = arith.constant 57344 : i32
      %add3A_175 = vector.broadcast %add3A_174 : i32 to vector<16xi32>
      %add3A_176 = arith.addi %add3A_20, %add3A_175 : vector<16xi32>
      %mul3A_177 = arith.constant 16 : i32
      %mul3A_178 = arith.muli %scan3A_8, %mul3A_177 : i32
      %add3A_179 = arith.constant 7168 : i32
      %add3A_180 = arith.addi %add3A_179, %mul3A_178 : i32
      %swap3A_181 = arith.index_cast %add3A_180 : i32 to index
      %swap3A_182 = tpu.vector_load %arg6[%swap3A_181] {strides = array<i32>} : memref<9216xi32, #tpu.memory_space<vmem>>, vector<16xi32>,
      %swap3A_183 = vector.shape_cast %swap3A_182 : vector<16xi32> to vector<16xi32>
      %swap3A_184 = vector.shape_cast %add3A_176 : vector<16xi32> to vector<16xi32>
      tpu.vector_store %arg6[%swap3A_181], %swap3A_184 {strides = array<i32>} : memref<9216xi32, #tpu.memory_space<vmem>>, vector<16xi32>,
      %add3A_185 = arith.constant 61440 : i32
      %add3A_186 = vector.broadcast %add3A_185 : i32 to vector<16xi32>
      %add3A_187 = arith.addi %add3A_20, %add3A_186 : vector<16xi32>
      %mul3A_188 = arith.constant 16 : i32
      %mul3A_189 = arith.muli %scan3A_8, %mul3A_188 : i32
      %add3A_190 = arith.constant 7680 : i32
      %add3A_191 = arith.addi %add3A_190, %mul3A_189 : i32
      %swap3A_192 = arith.index_cast %add3A_191 : i32 to index
      %swap3A_193 = tpu.vector_load %arg6[%swap3A_192] {strides = array<i32>} : memref<9216xi32, #tpu.memory_space<vmem>>, vector<16xi32>,
      %swap3A_194 = vector.shape_cast %swap3A_193 : vector<16xi32> to vector<16xi32>
      %swap3A_195 = vector.shape_cast %add3A_187 : vector<16xi32> to vector<16xi32>
      tpu.vector_store %arg6[%swap3A_192], %swap3A_195 {strides = array<i32>} : memref<9216xi32, #tpu.memory_space<vmem>>, vector<16xi32>,
      %add3A_196 = arith.constant 65536 : i32
      %add3A_197 = vector.broadcast %add3A_196 : i32 to vector<16xi32>
      %add3A_198 = arith.addi %add3A_20, %add3A_197 : vector<16xi32>
      %mul3A_199 = arith.constant 16 : i32
      %mul3A_200 = arith.muli %scan3A_8, %mul3A_199 : i32
      %add3A_201 = arith.constant 8192 : i32
      %add3A_202 = arith.addi %add3A_201, %mul3A_200 : i32
      %swap3A_203 = arith.index_cast %add3A_202 : i32 to index
      %swap3A_204 = tpu.vector_load %arg6[%swap3A_203] {strides = array<i32>} : memref<9216xi32, #tpu.memory_space<vmem>>, vector<16xi32>,
      %swap3A_205 = vector.shape_cast %swap3A_204 : vector<16xi32> to vector<16xi32>
      %swap3A_206 = vector.shape_cast %add3A_198 : vector<16xi32> to vector<16xi32>
      tpu.vector_store %arg6[%swap3A_203], %swap3A_206 {strides = array<i32>} : memref<9216xi32, #tpu.memory_space<vmem>>, vector<16xi32>,
      %add3A_207 = arith.constant 69632 : i32
      %add3A_208 = vector.broadcast %add3A_207 : i32 to vector<16xi32>
      %add3A_209 = arith.addi %add3A_20, %add3A_208 : vector<16xi32>
      %mul3A_210 = arith.constant 16 : i32
      %mul3A_211 = arith.muli %scan3A_8, %mul3A_210 : i32
      %add3A_212 = arith.constant 8704 : i32
      %add3A_213 = arith.addi %add3A_212, %mul3A_211 : i32
      %swap3A_214 = arith.index_cast %add3A_213 : i32 to index
      %swap3A_215 = tpu.vector_load %arg6[%swap3A_214] {strides = array<i32>} : memref<9216xi32, #tpu.memory_space<vmem>>, vector<16xi32>,
      %swap3A_216 = vector.shape_cast %swap3A_215 : vector<16xi32> to vector<16xi32>
      %swap3A_217 = vector.shape_cast %add3A_209 : vector<16xi32> to vector<16xi32>
      tpu.vector_store %arg6[%swap3A_214], %swap3A_217 {strides = array<i32>} : memref<9216xi32, #tpu.memory_space<vmem>>, vector<16xi32>,
    }
    %scan3A_5 = arith.constant 32 : i32
    %dma_start3A = arith.constant 0 : i32
    %dma_start3A_6 = tpu.memref_slice %arg3[%dma_start3A] : memref<4792320xf32, #tpu.memory_space<hbm>> -> memref<4792320xf32, #tpu.memory_space<hbm>>
    tpu.enqueue_indirect_dma source(%dma_start3A_6 : memref<4792320xf32, #tpu.memory_space<hbm>>) target(%arg7 : memref<9216xf32, #tpu.memory_space<vmem>>) offsets(%arg6 : memref<9216xi32, #tpu.memory_space<vmem>>) semaphore(%arg8 : memref<!tpu.dma_semaphore, #tpu.memory_space<semaphore_mem>>)
    %dma_wait3A = arith.constant 0 : i32
    %dma_wait3A_7 = tpu.memref_slice %arg3[%dma_wait3A] : memref<4792320xf32, #tpu.memory_space<hbm>> -> memref<4792320xf32, #tpu.memory_space<hbm>>
    tpu.wait_indirect_dma semaphore(%arg8 : memref<!tpu.dma_semaphore, #tpu.memory_space<semaphore_mem>>) src(%dma_wait3A_7 : memref<4792320xf32, #tpu.memory_space<hbm>>) dst(%arg7 : memref<9216xf32, #tpu.memory_space<vmem>>)
    "tpu.region"() ({
      %run_scoped3A = tpu.sem_alloc : memref<!tpu.dma_semaphore, #tpu.memory_space<semaphore_mem>>
      %dma_start3A_8 = arith.constant 0 : i32
      %dma_start3A_9 = tpu.memref_slice %arg4[%add3A, %dma_start3A_8] : memref<32x9216xf32, #tpu.memory_space<hbm>> -> memref<1x9216xf32, #tpu.memory_space<hbm>>
      %dma_start3A_10 = tpu.memref_squeeze %dma_start3A_9 : memref<1x9216xf32, #tpu.memory_space<hbm>> -> memref<9216xf32, #tpu.memory_space<hbm>>
      %dma_start3A_11 = arith.constant 0 : i32
      %dma_start3A_12 = tpu.memref_slice %arg4[%add3A, %dma_start3A_11] : memref<32x9216xf32, #tpu.memory_space<hbm>> -> memref<1x9216xf32, #tpu.memory_space<hbm>>
      %dma_start3A_13 = tpu.memref_squeeze %dma_start3A_12 : memref<1x9216xf32, #tpu.memory_space<hbm>> -> memref<9216xf32, #tpu.memory_space<hbm>>
      tpu.enqueue_dma source(%arg7 : memref<9216xf32, #tpu.memory_space<vmem>>) target(%dma_start3A_13 : memref<9216xf32, #tpu.memory_space<hbm>>) target_semaphore(%run_scoped3A : memref<!tpu.dma_semaphore, #tpu.memory_space<semaphore_mem>>)
      %dma_wait3A_14 = arith.constant 0 : i32
      %dma_wait3A_15 = tpu.memref_slice %arg4[%add3A, %dma_wait3A_14] : memref<32x9216xf32, #tpu.memory_space<hbm>> -> memref<1x9216xf32, #tpu.memory_space<hbm>>
      %dma_wait3A_16 = tpu.memref_squeeze %dma_wait3A_15 : memref<1x9216xf32, #tpu.memory_space<hbm>> -> memref<9216xf32, #tpu.memory_space<hbm>>
      %dma_wait3A_17 = arith.constant 0 : i32
      %dma_wait3A_18 = tpu.memref_slice %arg4[%add3A, %dma_wait3A_17] : memref<32x9216xf32, #tpu.memory_space<hbm>> -> memref<1x9216xf32, #tpu.memory_space<hbm>>
      %dma_wait3A_19 = tpu.memref_squeeze %dma_wait3A_18 : memref<1x9216xf32, #tpu.memory_space<hbm>> -> memref<9216xf32, #tpu.memory_space<hbm>>
      tpu.wait_dma2 semaphore(%run_scoped3A : memref<!tpu.dma_semaphore, #tpu.memory_space<semaphore_mem>>) src(%arg7 : memref<9216xf32, #tpu.memory_space<vmem>>) dst(%dma_wait3A_19 : memref<9216xf32, #tpu.memory_space<hbm>>)
      tpu.yield
    }) : () -> ()
    return
  }
}

module attributes {stable_mosaic.version = 14 : i64} {
  func.func @_flatten_body(%arg0: i32, %arg1: memref<4096x18xf32, #tpu.memory_space<vmem>>, %arg2: memref<73728xf32, #tpu.memory_space<vmem>>) attributes {dimension_semantics = [#tpu.dimension_semantics<arbitrary>], iteration_bounds = array<i64: 65>, scalar_prefetch = 0 : i64, scratch_operands = 0 : i64, tpu.core_type = #tpu.core_type<tc>, window_params = [{transform_indices = @transform_0, window_bounds = array<i64: 4096, 18>}, {transform_indices = @transform_1, window_bounds = array<i64: 73728>}]} {
    %get3A = arith.constant 0 : index
    %get3A_0 = arith.constant 0 : index
    %get3A_1 = vector.load %arg1[%get3A, %get3A_0] : memref<4096x18xf32, #tpu.memory_space<vmem>>, vector<4096x18xf32>
    %transpose3A = tpu.transpose %get3A_1, [1, 0] : vector<4096x18xf32> -> vector<18x4096xf32>
    %reshape3A = vector.shape_cast %transpose3A : vector<18x4096xf32> to vector<73728xf32>
    %swap3A = arith.constant 0 : index
    %swap3A_2 = vector.load %arg2[%swap3A] : memref<73728xf32, #tpu.memory_space<vmem>>, vector<73728xf32>
    tpu.vector_store %arg2[%swap3A], %reshape3A {strides = array<i32>} : memref<73728xf32, #tpu.memory_space<vmem>>, vector<73728xf32>,
    return
  }
  func.func @transform_0(%arg0: i32) -> (i32, i32) {
    %c0_i32 = arith.constant 0 : i32
    %c0_i32_0 = arith.constant 0 : i32
    return %arg0, %c0_i32 : i32, i32
  }
  func.func @transform_1(%arg0: i32) -> i32 {
    %c0_i32 = arith.constant 0 : i32
    return %arg0 : i32
  }
}

module attributes {stable_mosaic.version = 14 : i64} {
  func.func @_mlp_body(%arg0: i32, %arg1: memref<2048x21xf32, #tpu.memory_space<vmem>>, %arg2: memref<18x2048xf32, #tpu.memory_space<vmem>>, %arg3: memref<2048x1xi32, #tpu.memory_space<vmem>>, %arg4: memref<2048x13xf32, #tpu.memory_space<vmem>>, %arg5: memref<129x7xf32, #tpu.memory_space<vmem>>, %arg6: memref<21x256xf32, #tpu.memory_space<vmem>>, %arg7: memref<18x256xf32, #tpu.memory_space<vmem>>, %arg8: memref<7x256xf32, #tpu.memory_space<vmem>>, %arg9: memref<13x256xf32, #tpu.memory_space<vmem>>, %arg10: memref<1x256xf32, #tpu.memory_space<vmem>>, %arg11: memref<256x128xf32, #tpu.memory_space<vmem>>, %arg12: memref<1x128xf32, #tpu.memory_space<vmem>>, %arg13: memref<128x1xf32, #tpu.memory_space<vmem>>, %arg14: memref<1x1xf32, #tpu.memory_space<vmem>>, %arg15: memref<2048x1xf32, #tpu.memory_space<vmem>>) attributes {dimension_semantics = [#tpu.dimension_semantics<arbitrary>], iteration_bounds = array<i64: 8>, scalar_prefetch = 0 : i64, scratch_operands = 0 : i64, tpu.core_type = #tpu.core_type<tc>, window_params = [{transform_indices = @transform_0, window_bounds = array<i64: 2048, 21>}, {transform_indices = @transform_1, window_bounds = array<i64: 18, 2048>}, {transform_indices = @transform_2, window_bounds = array<i64: 2048, 1>}, {transform_indices = @transform_3, window_bounds = array<i64: 2048, 13>}, {pipeline_mode = #tpu.pipeline_mode<synchronous>, transform_indices = @transform_4, window_bounds = array<i64: 129, 7>}, {pipeline_mode = #tpu.pipeline_mode<synchronous>, transform_indices = @transform_5, window_bounds = array<i64: 21, 256>}, {pipeline_mode = #tpu.pipeline_mode<synchronous>, transform_indices = @transform_6, window_bounds = array<i64: 18, 256>}, {pipeline_mode = #tpu.pipeline_mode<synchronous>, transform_indices = @transform_7, window_bounds = array<i64: 7, 256>}, {pipeline_mode = #tpu.pipeline_mode<synchronous>, transform_indices = @transform_8, window_bounds = array<i64: 13, 256>}, {pipeline_mode = #tpu.pipeline_mode<synchronous>, transform_indices = @transform_9, window_bounds = array<i64: 1, 256>}, {pipeline_mode = #tpu.pipeline_mode<synchronous>, transform_indices = @transform_10, window_bounds = array<i64: 256, 128>}, {pipeline_mode = #tpu.pipeline_mode<synchronous>, transform_indices = @transform_11, window_bounds = array<i64: 1, 128>}, {pipeline_mode = #tpu.pipeline_mode<synchronous>, transform_indices = @transform_12, window_bounds = array<i64: 128, 1>}, {pipeline_mode = #tpu.pipeline_mode<synchronous>, transform_indices = @transform_13, window_bounds = array<i64: 1, 1>}, {transform_indices = @transform_14, window_bounds = array<i64: 2048, 1>}]} {
    %iota3A = tpu.iota {dimensions = array<i32: 1>} : vector<2048x129xi32>
    %get3A = arith.constant 0 : index
    %get3A_0 = arith.constant 0 : index
    %get3A_1 = vector.load %arg3[%get3A, %get3A_0] : memref<2048x1xi32, #tpu.memory_space<vmem>>, vector<2048x1xi32>
    %eq3A = vector.broadcast %get3A_1 : vector<2048x1xi32> to vector<2048x129xi32>
    %eq3A_2 = arith.cmpi eq, %iota3A, %eq3A : vector<2048x129xi32>
    %convert_element_type3A = arith.extui %eq3A_2 : vector<2048x129xi1> to vector<2048x129xi32>
    %convert_element_type3A_3 = arith.sitofp %convert_element_type3A : vector<2048x129xi32> to vector<2048x129xf32>
    %get3A_4 = arith.constant 0 : index
    %get3A_5 = arith.constant 0 : index
    %get3A_6 = vector.load %arg5[%get3A_4, %get3A_5] : memref<129x7xf32, #tpu.memory_space<vmem>>, vector<129x7xf32>
    %dot_general3A = arith.constant dense<0.000000e+00> : vector<2048x7xf32>
    %dot_general3A_7 = tpu.matmul %convert_element_type3A_3, %get3A_6, %dot_general3A {dimension_numbers = #tpu.dot_dimension_numbers<[1], [0], [0], [1], [0, 0, 1, 1], [], []>, transpose_lhs_hint = false} : vector<2048x129xf32>, vector<129x7xf32>, vector<2048x7xf32> -> vector<2048x7xf32>
    %get3A_8 = arith.constant 0 : index
    %get3A_9 = arith.constant 0 : index
    %get3A_10 = vector.load %arg1[%get3A_8, %get3A_9] : memref<2048x21xf32, #tpu.memory_space<vmem>>, vector<2048x21xf32>
    %get3A_11 = arith.constant 0 : index
    %get3A_12 = arith.constant 0 : index
    %get3A_13 = vector.load %arg6[%get3A_11, %get3A_12] : memref<21x256xf32, #tpu.memory_space<vmem>>, vector<21x256xf32>
    %dot_general3A_14 = arith.constant dense<0.000000e+00> : vector<2048x256xf32>
    %dot_general3A_15 = tpu.matmul %get3A_10, %get3A_13, %dot_general3A_14 {dimension_numbers = #tpu.dot_dimension_numbers<[1], [0], [0], [1], [0, 0, 1, 1], [], []>, transpose_lhs_hint = false} : vector<2048x21xf32>, vector<21x256xf32>, vector<2048x256xf32> -> vector<2048x256xf32>
    %get3A_16 = arith.constant 0 : index
    %get3A_17 = arith.constant 0 : index
    %get3A_18 = vector.load %arg2[%get3A_16, %get3A_17] : memref<18x2048xf32, #tpu.memory_space<vmem>>, vector<18x2048xf32>
    %get3A_19 = arith.constant 0 : index
    %get3A_20 = arith.constant 0 : index
    %get3A_21 = vector.load %arg7[%get3A_19, %get3A_20] : memref<18x256xf32, #tpu.memory_space<vmem>>, vector<18x256xf32>
    %dot_general3A_22 = arith.constant dense<0.000000e+00> : vector<2048x256xf32>
    %dot_general3A_23 = tpu.matmul %get3A_18, %get3A_21, %dot_general3A_22 {dimension_numbers = #tpu.dot_dimension_numbers<[0], [0], [1], [1], [0, 1, 1, 1], [], []>, transpose_lhs_hint = false} : vector<18x2048xf32>, vector<18x256xf32>, vector<2048x256xf32> -> vector<2048x256xf32>
    %add3A = arith.addf %dot_general3A_15, %dot_general3A_23 : vector<2048x256xf32>
    %get3A_24 = arith.constant 0 : index
    %get3A_25 = arith.constant 0 : index
    %get3A_26 = vector.load %arg8[%get3A_24, %get3A_25] : memref<7x256xf32, #tpu.memory_space<vmem>>, vector<7x256xf32>
    %dot_general3A_27 = arith.constant dense<0.000000e+00> : vector<2048x256xf32>
    %dot_general3A_28 = tpu.matmul %dot_general3A_7, %get3A_26, %dot_general3A_27 {dimension_numbers = #tpu.dot_dimension_numbers<[1], [0], [0], [1], [0, 0, 1, 1], [], []>, transpose_lhs_hint = false} : vector<2048x7xf32>, vector<7x256xf32>, vector<2048x256xf32> -> vector<2048x256xf32>
    %add3A_29 = arith.addf %add3A, %dot_general3A_28 : vector<2048x256xf32>
    %get3A_30 = arith.constant 0 : index
    %get3A_31 = arith.constant 0 : index
    %get3A_32 = vector.load %arg4[%get3A_30, %get3A_31] : memref<2048x13xf32, #tpu.memory_space<vmem>>, vector<2048x13xf32>
    %get3A_33 = arith.constant 0 : index
    %get3A_34 = arith.constant 0 : index
    %get3A_35 = vector.load %arg9[%get3A_33, %get3A_34] : memref<13x256xf32, #tpu.memory_space<vmem>>, vector<13x256xf32>
    %dot_general3A_36 = arith.constant dense<0.000000e+00> : vector<2048x256xf32>
    %dot_general3A_37 = tpu.matmul %get3A_32, %get3A_35, %dot_general3A_36 {dimension_numbers = #tpu.dot_dimension_numbers<[1], [0], [0], [1], [0, 0, 1, 1], [], []>, transpose_lhs_hint = false} : vector<2048x13xf32>, vector<13x256xf32>, vector<2048x256xf32> -> vector<2048x256xf32>
    %add3A_38 = arith.addf %add3A_29, %dot_general3A_37 : vector<2048x256xf32>
    %get3A_39 = arith.constant 0 : index
    %get3A_40 = arith.constant 0 : index
    %get3A_41 = vector.load %arg10[%get3A_39, %get3A_40] : memref<1x256xf32, #tpu.memory_space<vmem>>, vector<1x256xf32>
    %add3A_42 = vector.broadcast %get3A_41 : vector<1x256xf32> to vector<2048x256xf32>
    %add3A_43 = arith.addf %add3A_38, %add3A_42 : vector<2048x256xf32>
    %max3A = arith.constant 0.000000e+00 : f32
    %max3A_44 = vector.broadcast %max3A : f32 to vector<2048x256xf32>
    %max3A_45 = arith.maximumf %add3A_43, %max3A_44 : vector<2048x256xf32>
    %get3A_46 = arith.constant 0 : index
    %get3A_47 = arith.constant 0 : index
    %get3A_48 = vector.load %arg11[%get3A_46, %get3A_47] : memref<256x128xf32, #tpu.memory_space<vmem>>, vector<256x128xf32>
    %dot_general3A_49 = arith.constant dense<0.000000e+00> : vector<2048x128xf32>
    %dot_general3A_50 = tpu.matmul %max3A_45, %get3A_48, %dot_general3A_49 {dimension_numbers = #tpu.dot_dimension_numbers<[1], [0], [0], [1], [0, 0, 1, 1], [], []>, transpose_lhs_hint = false} : vector<2048x256xf32>, vector<256x128xf32>, vector<2048x128xf32> -> vector<2048x128xf32>
    %get3A_51 = arith.constant 0 : index
    %get3A_52 = arith.constant 0 : index
    %get3A_53 = vector.load %arg12[%get3A_51, %get3A_52] : memref<1x128xf32, #tpu.memory_space<vmem>>, vector<1x128xf32>
    %add3A_54 = vector.broadcast %get3A_53 : vector<1x128xf32> to vector<2048x128xf32>
    %add3A_55 = arith.addf %dot_general3A_50, %add3A_54 : vector<2048x128xf32>
    %max3A_56 = arith.constant 0.000000e+00 : f32
    %max3A_57 = vector.broadcast %max3A_56 : f32 to vector<2048x128xf32>
    %max3A_58 = arith.maximumf %add3A_55, %max3A_57 : vector<2048x128xf32>
    %get3A_59 = arith.constant 0 : index
    %get3A_60 = arith.constant 0 : index
    %get3A_61 = vector.load %arg13[%get3A_59, %get3A_60] : memref<128x1xf32, #tpu.memory_space<vmem>>, vector<128x1xf32>
    %dot_general3A_62 = arith.constant dense<0.000000e+00> : vector<2048x1xf32>
    %dot_general3A_63 = tpu.matmul %max3A_58, %get3A_61, %dot_general3A_62 {dimension_numbers = #tpu.dot_dimension_numbers<[1], [0], [0], [1], [0, 0, 1, 1], [], []>, transpose_lhs_hint = false} : vector<2048x128xf32>, vector<128x1xf32>, vector<2048x1xf32> -> vector<2048x1xf32>
    %get3A_64 = arith.constant 0 : index
    %get3A_65 = arith.constant 0 : index
    %get3A_66 = vector.load %arg14[%get3A_64, %get3A_65] : memref<1x1xf32, #tpu.memory_space<vmem>>, vector<1x1xf32>
    %add3A_67 = vector.broadcast %get3A_66 : vector<1x1xf32> to vector<2048x1xf32>
    %add3A_68 = arith.addf %dot_general3A_63, %add3A_67 : vector<2048x1xf32>
    %neg3A = arith.constant 0.000000e+00 : f32
    %neg3A_69 = vector.broadcast %neg3A : f32 to vector<2048x1xf32>
    %neg3A_70 = arith.subf %neg3A_69, %add3A_68 : vector<2048x1xf32>
    %exp3A = math.exp %neg3A_70 : vector<2048x1xf32>
    %add3A_71 = arith.constant 1.000000e+00 : f32
    %add3A_72 = vector.broadcast %add3A_71 : f32 to vector<2048x1xf32>
    %add3A_73 = arith.addf %add3A_72, %exp3A : vector<2048x1xf32>
    %div3A = arith.constant 1.000000e+00 : f32
    %div3A_74 = vector.broadcast %div3A : f32 to vector<2048x1xf32>
    %div3A_75 = arith.divf %div3A_74, %add3A_73 : vector<2048x1xf32>
    %swap3A = arith.constant 0 : index
    %swap3A_76 = arith.constant 0 : index
    %swap3A_77 = vector.load %arg15[%swap3A, %swap3A_76] : memref<2048x1xf32, #tpu.memory_space<vmem>>, vector<2048x1xf32>
    tpu.vector_store %arg15[%swap3A, %swap3A_76], %div3A_75 {strides = array<i32>} : memref<2048x1xf32, #tpu.memory_space<vmem>>, vector<2048x1xf32>,
    return
  }
  func.func @transform_0(%arg0: i32) -> (i32, i32) {
    %c0_i32 = arith.constant 0 : i32
    %c0_i32_0 = arith.constant 0 : i32
    return %arg0, %c0_i32 : i32, i32
  }
  func.func @transform_1(%arg0: i32) -> (i32, i32) {
    %c0_i32 = arith.constant 0 : i32
    %c0_i32_0 = arith.constant 0 : i32
    return %c0_i32, %arg0 : i32, i32
  }
  func.func @transform_2(%arg0: i32) -> (i32, i32) {
    %c0_i32 = arith.constant 0 : i32
    %c0_i32_0 = arith.constant 0 : i32
    return %arg0, %c0_i32 : i32, i32
  }
  func.func @transform_3(%arg0: i32) -> (i32, i32) {
    %c0_i32 = arith.constant 0 : i32
    %c0_i32_0 = arith.constant 0 : i32
    return %arg0, %c0_i32 : i32, i32
  }
  func.func @transform_4(%arg0: i32) -> (i32, i32) {
    %c0_i32 = arith.constant 0 : i32
    %c0_i32_0 = arith.constant 0 : i32
    %c0_i32_1 = arith.constant 0 : i32
    return %c0_i32, %c0_i32_0 : i32, i32
  }
  func.func @transform_5(%arg0: i32) -> (i32, i32) {
    %c0_i32 = arith.constant 0 : i32
    %c0_i32_0 = arith.constant 0 : i32
    %c0_i32_1 = arith.constant 0 : i32
    return %c0_i32, %c0_i32_0 : i32, i32
  }
  func.func @transform_6(%arg0: i32) -> (i32, i32) {
    %c0_i32 = arith.constant 0 : i32
    %c0_i32_0 = arith.constant 0 : i32
    %c0_i32_1 = arith.constant 0 : i32
    return %c0_i32, %c0_i32_0 : i32, i32
  }
  func.func @transform_7(%arg0: i32) -> (i32, i32) {
    %c0_i32 = arith.constant 0 : i32
    %c0_i32_0 = arith.constant 0 : i32
    %c0_i32_1 = arith.constant 0 : i32
    return %c0_i32, %c0_i32_0 : i32, i32
  }
  func.func @transform_8(%arg0: i32) -> (i32, i32) {
    %c0_i32 = arith.constant 0 : i32
    %c0_i32_0 = arith.constant 0 : i32
    %c0_i32_1 = arith.constant 0 : i32
    return %c0_i32, %c0_i32_0 : i32, i32
  }
  func.func @transform_9(%arg0: i32) -> (i32, i32) {
    %c0_i32 = arith.constant 0 : i32
    %c0_i32_0 = arith.constant 0 : i32
    %c0_i32_1 = arith.constant 0 : i32
    return %c0_i32, %c0_i32_0 : i32, i32
  }
  func.func @transform_10(%arg0: i32) -> (i32, i32) {
    %c0_i32 = arith.constant 0 : i32
    %c0_i32_0 = arith.constant 0 : i32
    %c0_i32_1 = arith.constant 0 : i32
    return %c0_i32, %c0_i32_0 : i32, i32
  }
  func.func @transform_11(%arg0: i32) -> (i32, i32) {
    %c0_i32 = arith.constant 0 : i32
    %c0_i32_0 = arith.constant 0 : i32
    %c0_i32_1 = arith.constant 0 : i32
    return %c0_i32, %c0_i32_0 : i32, i32
  }
  func.func @transform_12(%arg0: i32) -> (i32, i32) {
    %c0_i32 = arith.constant 0 : i32
    %c0_i32_0 = arith.constant 0 : i32
    %c0_i32_1 = arith.constant 0 : i32
    return %c0_i32, %c0_i32_0 : i32, i32
  }
  func.func @transform_13(%arg0: i32) -> (i32, i32) {
    %c0_i32 = arith.constant 0 : i32
    %c0_i32_0 = arith.constant 0 : i32
    %c0_i32_1 = arith.constant 0 : i32
    return %c0_i32, %c0_i32_0 : i32, i32
  }
  func.func @transform_14(%arg0: i32) -> (i32, i32) {
    %c0_i32 = arith.constant 0 : i32
    %c0_i32_0 = arith.constant 0 : i32
    return %arg0, %c0_i32 : i32, i32
  }
}

</mosaic_0001>

<sc_bundles>
// kernel: kernel.6.cloned.1.call-start
scs
__scs_entry_jumppad:
0x0: {  	(pc) =	sbr.rel $0x88, $3  }
0x1: {  	(tag) =	ssettag $0x0;
	lr =	simm.s32 $0x1  }
0x2: {  	[smem:$0x3F94] =	sst lr;
	_ =	strace $0xD0000000  }
0x3: {  	_ = 	snop  }
0x4: {  	_ = 	snop  }
0x5: {  	_ = 	snop  }
0x6: {  	_ = 	snop  }
0x7: {  	_ = 	snop  }
__scs_overlays_trampoline_lowered:
0x8: {  	[smem:$0x3FA3] =	sst s0  }
0x9: {  	[smem:$0x3FA4] =	sst s1  }
0xa: {  	[smem:$0x3FA5] =	sst s2  }
0xb: {  	[smem:$0x3FA6] =	sst s3  }
0xc: {  	[smem:$0x3FA7] =	sst s4  }
0xd: {  	[smem:$0x3FA8] =	sst s5  }
0xe: {  	[smem:$0x3FA9] =	sst s6  }
0xf: {  	[smem:$0x3FAA] =	sst s7  }
0x10: {  	[smem:$0x3FAB] =	sst s8  }
0x11: {  	[smem:$0x3FAC] =	sst s9;
	s0 =	simm.s32 @!p0 $0x0  }
0x12: {  	s1 =	sld [smem:$0x3F92];
	s0 =	simm.s32 @p0 $0x1  }
0x13: {  	[smem:$0x3FAD] =	sst s0;
	s0 =	simm.s32 @!p1 $0x0  }
0x14: {  	s2 =	sld [smem:$0x3F91];
	s0 =	simm.s32 @p1 $0x1  }
0x15: {  	[smem:$0x3FAE] =	sst s0;
	s0 =	simm.s32 @!p2 $0x0  }
0x16: {  	s3 =	sld [smem:$0x3FDB];
	s0 =	simm.s32 @p2 $0x1  }
0x17: {  	s4 =	simm.s32 $0x1BF5;
	[smem:$0x3FB0] =	sst s0  }
0x18: {  	s0 =	sld [smem:$0x3F93];
	_ =	swait.ge [sflag:s4], $0x0  }
0x19: {  	s7 =	sld [smem:$0x3F94]  }
0x1a: {  	s8 =	sadd.s32 $0xFFFFE003, lr  }
0x1b: {  	s9 =	sadd.s32 $0xFFFFFEF7, lr;
	s5 =	simm.s32 $0xFFFFFFFF;
	p2 =	slt.u32 s8, $0xFFFFF086  }
0x1c: {  	p1 =	slt.u32 s9, $0xF7A;
	s5 =	simm.s32 @!p2 $0x0  }
0x1d: {  	s5 =	simm.s32 @p1 $0x1;
	p0 =	seq.s32 s7, s2  }
0x1e: {  	s7 =	smul.u32 @!p0 $0xF7A, s2;
	p2 =	seq.s32 @!p0 s5, $0x0  }
0x1f: {  	s9 =	smul.u32 $0xF7A, s1;
	s8 =	simm.s32 @!p0 $0x1BF5;
	p2 =	por !p2, p0  }
0x20: {  	[sflag:s8] =	ssyncset.s32 @!p0 $0xFFFFF086;
	s6 =	sadd.s32 @!p0 s3, s7;
	s7 =	simm.s32 @!p0 $0x108  }
0x21: {  	s3 =	sadd.s32 s3, s9;
	s6 =	sadd.s32 @!p0 $0x88, s6;
	s7 =	simm.s32 @p2 $0x1082  }
0x22: {  	[simem:s7], [sflag:s8] =	dma.local @!p0 [hbm:s6], $0xF7A  }
0x23: {  	s9 =	sor.u32 $0xD0000000, s2;
	s6 =	simm.s32 $0x108;
	_ =	swait.ge @!p0 [sflag:s8], $0x0  }
0x24: {  	s3 =	sadd.s32 $0x88, s3;
	s6 =	simm.s32 @!p1 $0x1082;
	[sflag:s4] =	ssyncset.s32 $0xFFFFF086  }
0x25: {  	[simem:s6], [sflag:s4] =	dma.local [hbm:s3], $0xF7A  }
0x26: {  	[smem:$0x3F94] =	sst s1;
	(tag) =	ssettag s2;
	_ =	strace s9  }
0x27: {  	s1 =	sld [smem:$0x3FA4]  }
0x28: {  	s2 =	sld [smem:$0x3FA5]  }
0x29: {  	s4 =	sld [smem:$0x3FA7]  }
0x2a: {  	p0 =	seq.s32 s5, $0x0;
	s5 =	sld [smem:$0x3FA8]  }
0x2b: {  	s6 =	sld [smem:$0x3FA9]  }
0x2c: {  	s7 =	sld [smem:$0x3FAA]  }
0x2d: {  	s3 =	simm.s32 $0x108;
	s8 =	sld [smem:$0x3FAB]  }
0x2e: {  	s3 =	simm.s32 @!p0 $0x1082;
	s9 =	sld [smem:$0x3FAC]  }
0x2f: {  	lr =	sadd.s32 s0, s3;
	s0 =	sld [smem:$0x3FA3]  }
0x30: {  	s3 =	sld [smem:$0x3FA6]  }
0x31: {  	[smem:$0x3FAF] =	sst s10  }
0x32: {  	s10 =	sld [smem:$0x3FAD];
	_ =	sdelay $0x3  }
0x33: {  	p0 =	seq.s32 s10, $0x1;
	s10 =	sld [smem:$0x3FAF];
	_ =	sdelay $0x3  }
0x34: {  	[smem:$0x3FAF] =	sst s10  }
0x35: {  	s10 =	sld [smem:$0x3FAE];
	_ =	sdelay $0x3  }
0x36: {  	p1 =	seq.s32 s10, $0x1;
	s10 =	sld [smem:$0x3FAF];
	_ =	sdelay $0x3  }
0x37: {  	[smem:$0x3FAF] =	sst s10  }
0x38: {  	s10 =	sld [smem:$0x3FB0]  }
0x39: {  	_ = 	snop;
	(pc) =	sbr.ind lr, $3  }
0x3a: {  	_ = 	snop  }
0x3b: {  	_ = 	snop  }
0x3c: {  	p2 =	seq.s32 s10, $0x1;
	s10 =	sld [smem:$0x3FAF]  }
0x3d: {  	_ =	shalt  }
0x3e: {  	_ =	shalt  }
0x3f: {  	_ =	shalt  }
0x40: {  	_ =	shalt  }
0x41: {  	_ =	shalt  }
0x42: {  	_ =	shalt  }
0x43: {  	_ =	shalt  }
0x44: {  	_ =	shalt  }
0x45: {  	_ =	shalt  }
0x46: {  	_ =	shalt  }
0x47: {  	_ =	shalt  }
0x48: {  	_ =	shalt  }
0x49: {  	_ =	shalt  }
0x4a: {  	_ =	shalt  }
0x4b: {  	_ =	shalt  }
0x4c: {  	_ =	shalt  }
0x4d: {  	_ =	shalt  }
0x4e: {  	_ =	shalt  }
0x4f: {  	_ =	shalt  }
0x50: {  	_ =	shalt  }
0x51: {  	_ =	shalt  }
0x52: {  	_ =	shalt  }
0x53: {  	_ =	shalt  }
0x54: {  	_ =	shalt  }
0x55: {  	_ =	shalt  }
0x56: {  	_ =	shalt  }
0x57: {  	_ =	shalt  }
0x58: {  	_ =	shalt  }
0x59: {  	_ =	shalt  }
0x5a: {  	_ =	shalt  }
0x5b: {  	_ =	shalt  }
0x5c: {  	_ =	shalt  }
0x5d: {  	_ =	shalt  }
0x5e: {  	_ =	shalt  }
0x5f: {  	_ =	shalt  }
0x60: {  	_ =	shalt  }
0x61: {  	_ =	shalt  }
0x62: {  	_ =	shalt  }
0x63: {  	_ =	shalt  }
0x64: {  	_ =	shalt  }
0x65: {  	_ =	shalt  }
0x66: {  	_ =	shalt  }
0x67: {  	_ =	shalt  }
0x68: {  	_ =	shalt  }
0x69: {  	_ =	shalt  }
0x6a: {  	_ =	shalt  }
0x6b: {  	_ =	shalt  }
0x6c: {  	_ =	shalt  }
0x6d: {  	_ =	shalt  }
0x6e: {  	_ =	shalt  }
0x6f: {  	_ =	shalt  }
0x70: {  	_ =	shalt  }
0x71: {  	_ =	shalt  }
0x72: {  	_ =	shalt  }
0x73: {  	_ =	shalt  }
0x74: {  	_ =	shalt  }
0x75: {  	_ =	shalt  }
0x76: {  	_ =	shalt  }
0x77: {  	_ =	shalt  }
0x78: {  	_ =	shalt  }
0x79: {  	_ =	shalt  }
0x7a: {  	_ =	shalt  }
0x7b: {  	_ =	shalt  }
0x7c: {  	_ =	shalt  }
0x7d: {  	_ =	shalt  }
0x7e: {  	_ =	shalt  }
0x7f: {  	_ =	shalt  }
0x80: {  	_ =	shalt  }
0x81: {  	_ =	shalt  }
0x82: {  	_ =	shalt  }
0x83: {  	_ =	shalt  }
0x84: {  	_ =	shalt  }
0x85: {  	_ =	shalt  }
0x86: {  	_ =	shalt  }
0x87: {  	_ =	shalt  }
.Lfunc_end0:
.L_simem_size_0:
called_computation_lowered:
.L_overlay_start_0:
0x88: {  	s2 =	sld [smem:$0x3FD9]  }
0x89: {  	s3 =	sld [smem:$0x3FFE];
	_ =	sdelay $0x1  }
0x8a: {  	s1 =	srdreg.scid  }
0x8b: {  	s0 =	sand.u32 $0x1, s1  }
0x8c: {  	s17 =	sshll.u32 s0, $0xA;
	s2 =	sadd.s32 s3, s2  }
0x8d: {  	s2 =	sadd.s32 s2, s17  }
0x8e: {  	[smem:$0x3FBB] =	sst s2  }
0x8f: {  	_ = 	snop  }
0x90: {  	s18 =	sld [smem:$0x3FD0];
	(tm) =	ssettm $0x1  }
0x91: {  	s19 =	sld [smem:$0x3FFB];
	_ =	sdelay $0x3  }
0x92: {  	_ =	strace s19  }
0x93: {  	s2 =	sld [smem:$0x3FFC];
	_ =	sdelay $0x3  }
0x94: {  	_ =	strace s2  }
0x95: {  	s2 =	sld [smem:$0x3FFD];
	_ =	sdelay $0x3  }
0x96: {  	_ =	strace s2  }
0x97: {  	_ =	strace $0x8FFFFFFF  }
0x98: {  	s20 =	sld [smem:$0x3FDB];
	_ =	sdelay $0x1  }
0x99: {  	s4 =	simm.s32 $_scs_section_size  }
0x9a: {  	s5 =	simm.s32 $_size__tile_overlayer_lowered;
	s6 =	simm.s32 $_tile_overlayer_lowered  }
0x9b: {  	s7 =	simm.s32 $0x1BFF;
	s21 =	sshll.u32 s6, $0x1;
	s4 =	sadd.s32 s4, s20  }
0x9c: {  	s22 =	simm.s32 $0x0;
	s5 =	sshll.u32 s5, $0x1;
	s6 =	sadd.s32 s21, s4  }
0x9d: {  	[timem:s22], [sflag:s7] =	dma.local [hbm:s6], s5  }
0x9e: {  	_ =	swait.ge [sflag:s7], s5  }
0x9f: {  	s5 =	ssub.s32 $0x0, s5;
	[sflag:s7] =	ssyncset.done $0x0  }
0xa0: {  	[sflag:s7] =	ssyncadd.s32 s5;
	_ =	sdelay $0x1  }
0xa1: {  	s23 =	simm.s32 $0x1B8B  }
0xa2: {  	_ =	swait.ge [sflag:s23], $0x1  }
0xa3: {  	[sflag:s23] =	ssyncset.done $0x0  }
0xa4: {  	[sflag:s23] =	ssyncadd.s32 $0xFFFFFFFF  }
0xa5: {  	s5 =	sld [smem:$0x0]  }
0xa6: {  	s6 =	sand.u32 $0xFFFFFFFE, s1  }
0xa7: {  	p0 =	sne.s32 s1, s6  }
0xa8: {  	s6 =	sshll.u32 @p0 s6, $0xE  }
0xa9: {  	s6 =	sadd.s32 @p0 $0x11B8D, s6;
	s7 =	sshll.u32 @p0 s5, $0x11  }
0xaa: {  	s6 =	sor.u32 @p0 s7, s6  }
0xab: {  	[sflag:s6] =	ssyncadd.remote.s32 @p0 $0x1;
	_ =	sdelay $0x1  }
0xac: {  	s6 =	simm.s32 @p0 $0x1B8D  }
0xad: {  	_ =	swait.eq @p0 [sflag:s6], $0x1  }
0xae: {  	[sflag:s6] =	ssyncadd.s32 @p0 $0xFFFFFFFF  }
0xaf: {  	s7 =	sshll.u32 @!p0 s1, $0xE  }
0xb0: {  	s7 =	sor.u32 @!p0 $0x4000, s7;
	s6 =	simm.s32 @!p0 $0x1B8D  }
0xb1: {  	s5 =	sshll.u32 @!p0 s5, $0x11;
	s7 =	sadd.s32 @!p0 $0x11B8D, s7;
	_ =	swait.eq @!p0 [sflag:s6], $0x1  }
0xb2: {  	s5 =	sor.u32 @!p0 s5, s7;
	[sflag:s6] =	ssyncadd.s32 @!p0 $0xFFFFFFFF  }
0xb3: {  	s25 =	simm.s32 $0x1B8E;
	s24 =	sld [smem:$0x3FFE];
	[sflag:s5] =	ssyncadd.remote.s32 @!p0 $0x1  }
0xb4: {  	s26 =	simm.s32 $execute0_lowered;
	[smem:$0x3FD2] =	sst s25  }
0xb5: {  	s6 =	sshll.u32 s26, $0x1;
	_ =	strace $0x80000049;
	[dreg:$0x1] =	wrdreg $0xFFFFFFFF  }
0xb6: {  	s28 =	simm.s32 $_size_execute0_lowered;
	s4 =	sadd.s32 s4, s6;
	[dreg:$0x0] =	wrdreg $0x0  }
0xb7: {  	s6 =	sshll.u32 s28, $0x1;
	[dreg:$0x2] =	wrdreg s4  }
0xb8: {  	[dreg:$0x3] =	wrdreg s6  }
0xb9: {  	[dreg:$0x4] =	wrdreg $0xC0  }
0xba: {  	_ =	task [dreg:s22], $0x5FFFF  }
0xbb: {  	[dreg:$0x1] =	wrdreg $0xFFFFFFFF  }
0xbc: {  	[dreg:$0x0] =	wrdreg $0x60  }
0xbd: {  	[dreg:$0x2] =	wrdreg s18  }
0xbe: {  	[dreg:$0x3] =	wrdreg s24  }
0xbf: {  	[dreg:$0x4] =	wrdreg $0x9  }
0xc0: {  	_ =	task.clear_ibuf [dreg:s22], $0x5FFFF;
	_ =	strace $0x90000049  }
0xc1: {  	s29 =	simm.s32 $0x9;
	_ =	strace $0x8000004B  }
0xc2: {  	_ =	swait.ge [sflag:s29], $0x1  }
0xc3: {  	[sflag:s29] =	ssyncadd.s32 $0xFFFFFFFF  }
0xc4: {  	_ =	strace $0x9000004B  }
0xc5: {  	_ =	sfence  }
0xc6: {  	s30 =	sld [smem:$0x0];
	_ =	sdelay $0x2  }
0xc7: {  	s31 =	sshll.u32 s1, $0xD;
	s1 =	sshrl.u32 s1, $0x2  }
0xc8: {  	s4 =	sand.u32 $0x4000, s31;
	s1 =	sadd.s32 s1, s30  }
0xc9: {  	s0 =	sor.u32 s4, s0;
	s1 =	sshll.u32 s1, $0x11  }
0xca: {  	s0 =	sor.u32 s1, s0  }
0xcb: {  	s0 =	sadd.s32 $0x8F2B, s0  }
0xcc: {  	[sflag:s0] =	ssyncadd.remote.s32 $0x1  }
0xcd: {  	_ =	sfence.sel $0xFFFF  }
0xce: {  	[dreg:$0x0] =	wrdreg $0xFFFFFFFF;
	(pc) =	sbr.abs _section_cstart, $3  }
0xcf: {  	[dreg:$0x1] =	wrdreg $0xFFFFFFFF  }
0xd0: {  	_ =	task.clear_ibuf [dreg:s22], $0x2FFFF;
	_ =	strace $0x9FFFFFFF  }
0xd1: {  	(tm) =	ssettm $0x7FFFFFFF  }
tec
execute0_lowered:
.L_overlay_start_1:
0x0: {  	(tag) =	ssettag $0x1  }
0x1: {  	s4 =	rddreg [dreg:$0x0]  }
0x2: {  	s5 =	rddreg [dreg:$0x1];
	s2 =	simm.s32 $0x0  }
0x3: {  	s3 =	srdreg.scid;
	s0 =	stileid.u32;
	s11 =	simm.s32 $0x1  }
0x4: {  	s12 =	simm.s32 $0x200;
	s13 =	simm.s32 $0x0;
	[smem:$0x7FF] =	sst s2  }
0x5: {  	s6 =	sand.u32 $0x1, s3;
	s30 =	sshll.u32 s0, $0x1;
	s3 =	sadd.s32 $0x9DC00, s5  }
0x6: {  	s9 =	sshll.u32 s0, $0x7;
	_ =	strace $0x8000004A;
	s7 =	sor.u32 s6, s30  }
0x7: {  	s6 =	ssub.s32 $0x2, s6;
	s9 =	sand.u32 $0x600, s9;
	s8 =	sshll.u32 s7, $0xD  }
0x8: {  	s7 =	sshll.u32 s7, $0x4;
	s10 =	sshrl.u32 s6, $0x1;
	s4 =	sadd.s32 s4, s9  }
0x9: {  	s9 =	simm.s32 $0x400;
	s7 =	sand.u32 $0x70, s7;
	s8 =	sadd.s32 s8, s5  }
0xa: {  	s31 =	ssub.s32 s6, s10;
	s10 =	simm.s32 $0x2;
	s4 =	sadd.s32 s7, s4  }
0xb: {  	s5 =	sadd.s32 $0x2DAEE00, s8;
	s6 =	sadd.s32 $0x2DAFE00, s8;
	s7 =	smax.u32 s31, $0x1  }
.LBB2_1:
0xc: {  	s0 =	simm.s32 $0x80  }
0xd: {  	[tilespmem:s2], [sflag:$0x2] =	stream.strided.gather [hbm4b:s4+s0], $0x200, s9, s0, $0x38;
	[tilespmem:$0x8200] =	vst v63  }
0xe: {  	_ =	swait.ge [sflag:s10], $0x200  }
0xf: {  	[sflag:s10] =	ssyncset.done $0x0  }
0x10: {  	[sflag:s10] =	ssyncadd.s32 $0xFFFFFE00  }
0x11: {  	v0 =	vld [tilespmem:s2+$0x0];
	_ =	sdelay $0x4  }
0x12: {  	v0 =	vshll.u32 v0, $0x4  }
0x13: {  	(v2sf) =	vpush v0, $0x0  }
0x14: {  	(v2sf) =	vpush v0, $0x1  }
0x15: {  	(v2sf) =	vpush v0, $0x2;
	_ =	sdelay $0x1  }
0x16: {  	(v2sf) =	vpush v0, $0x4;
	_ =	sdelay $0x1  }
0x17: {  	(v2sf) =	vpush v0, $0x3  }
0x18: {  	(v2sf) =	vpush v0, $0x5  }
0x19: {  	s15 =	simm.s32 $0x2000;
	s14 =	simm.s32 $0x0;
	s16 =	simm.s32 $0x0;
	(v2sf) =	vpush v0, $0x6  }
.LBB2_2:
0x1a: {  	p0 =	sne.s32 s15, $0x1E000  }
0x1b: {  	s26 =	sadd.s32 $0x280, s14;
	s20 =	sadd.s32 $0x780, s14;
	s17 =	smov.u32 s15  }
0x1c: {  	s15 =	sadd.s32 $0x2000, s15;
	s23 =	sadd.s32 $0x580, s14;
	s18 =	sadd.s32 $0x800, s14;
	(v2sf) =	vpush v0, $0x7  }
0x1d: {  	s25 =	sadd.s32 $0x480, s14;
	s22 =	sadd.s32 $0x600, s14;
	s19 =	sadd.s32 $0x880, s14  }
0x1e: {  	s28 =	sadd.s32 $0x200, s14;
	s29 =	sadd.s32 $0x400, s14;
	(v2sf) =	vpush v0, $0x8  }
0x1f: {  	s30 =	sadd.s32 $0x500, s14;
	s16 =	sadd.s32 $0x10, s16  }
0x20: {  	s31 =	sadd.s32 $0x300, s14;
	s21 =	sadd.s32 $0x700, s14;
	s24 =	spop (v2sf);
	(v2sf) =	vpush v0, $0x9  }
0x21: {  	s0 =	sand.u32 $0x1FFFFFF0, s24;
	s24 =	sadd.s32 $0x680, s14;
	s1 =	spop (v2sf)  }
0x22: {  	s0 =	sadd.s32 s3, s0;
	s1 =	sand.u32 $0x1FFFFFF0, s1;
	s8 =	spop (v2sf);
	(v2sf) =	vpush v0, $0xA  }
0x23: {  	[tilespmem:s28], [sflag:$0x1] =	stream.linear.gather [hbm4b:s0+s2], $0x80, $0x38;
	[tilespmem:$0x8200] =	vst v63  }
0x24: {  	s0 =	sadd.s32 s3, s1;
	s1 =	sadd.s32 $0x380, s14;
	s28 =	spop (v2sf);
	(v2sf) =	vpush v0, $0xB  }
0x25: {  	[tilespmem:s26], [sflag:$0x1] =	stream.linear.gather [hbm4b:s0+s2], $0x80, $0x38;
	[tilespmem:$0x8200] =	vst v63  }
0x26: {  	s0 =	sand.u32 $0x1FFFFFF0, s8;
	s8 =	sand.u32 $0x1FFFFFF0, s28;
	s26 =	spop (v2sf);
	(v2sf) =	vpush v0, $0xC  }
0x27: {  	s0 =	sadd.s32 s3, s0;
	s26 =	sand.u32 $0x1FFFFFF0, s26;
	s28 =	spop (v2sf)  }
0x28: {  	[tilespmem:s31], [sflag:$0x1] =	stream.linear.gather [hbm4b:s0+s2], $0x80, $0x38;
	(v2sf) =	vpush v0, $0xD;
	[tilespmem:$0x8200] =	vst v63  }
0x29: {  	s0 =	sadd.s32 s3, s26;
	s26 =	sand.u32 $0x1FFFFFF0, s28;
	s28 =	spop (v2sf)  }
0x2a: {  	[tilespmem:s1], [sflag:$0x1] =	stream.linear.gather [hbm4b:s0+s2], $0x80, $0x38;
	(v2sf) =	vpush v0, $0xE;
	[tilespmem:$0x8200] =	vst v63  }
0x2b: {  	s0 =	sadd.s32 s3, s8;
	s1 =	sand.u32 $0x1FFFFFF0, s28;
	s8 =	spop (v2sf)  }
0x2c: {  	[tilespmem:s29], [sflag:$0x1] =	stream.linear.gather [hbm4b:s0+s2], $0x80, $0x38;
	(v2sf) =	vpush v0, $0xF;
	[tilespmem:$0x8200] =	vst v63  }
0x2d: {  	s0 =	sadd.s32 s3, s26;
	s8 =	sand.u32 $0x1FFFFFF0, s8;
	s26 =	spop (v2sf)  }
0x2e: {  	[tilespmem:s25], [sflag:$0x1] =	stream.linear.gather [hbm4b:s0+s2], $0x80, $0x38;
	[tilespmem:$0x8200] =	vst v63  }
0x2f: {  	s0 =	sadd.s32 s3, s1;
	s1 =	sand.u32 $0x1FFFFFF0, s26;
	s25 =	spop (v2sf)  }
0x30: {  	[tilespmem:s30], [sflag:$0x1] =	stream.linear.gather [hbm4b:s0+s2], $0x80, $0x38;
	[tilespmem:$0x8200] =	vst v63  }
0x31: {  	s0 =	sadd.s32 s3, s8;
	s8 =	sand.u32 $0x1FFFFFF0, s25;
	s25 =	spop (v2sf)  }
0x32: {  	[tilespmem:s23], [sflag:$0x1] =	stream.linear.gather [hbm4b:s0+s2], $0x80, $0x38;
	[tilespmem:$0x8200] =	vst v63  }
0x33: {  	s0 =	sadd.s32 s3, s1;
	s1 =	sand.u32 $0x1FFFFFF0, s25;
	s23 =	spop (v2sf)  }
0x34: {  	[tilespmem:s22], [sflag:$0x1] =	stream.linear.gather [hbm4b:s0+s2], $0x80, $0x38;
	[tilespmem:$0x8200] =	vst v63  }
0x35: {  	s0 =	sadd.s32 s3, s8;
	s8 =	sand.u32 $0x1FFFFFF0, s23;
	s22 =	spop (v2sf)  }
0x36: {  	[tilespmem:s24], [sflag:$0x1] =	stream.linear.gather [hbm4b:s0+s2], $0x80, $0x38;
	[tilespmem:$0x8200] =	vst v63  }
0x37: {  	s0 =	sadd.s32 s3, s1;
	s1 =	sand.u32 $0x1FFFFFF0, s22;
	s22 =	spop (v2sf)  }
0x38: {  	[tilespmem:s21], [sflag:$0x1] =	stream.linear.gather [hbm4b:s0+s2], $0x80, $0x38;
	[tilespmem:$0x8200] =	vst v63  }
0x39: {  	s0 =	sadd.s32 s3, s8;
	s8 =	sand.u32 $0x1FFFFFF0, s22;
	s21 =	spop (v2sf)  }
0x3a: {  	[tilespmem:s20], [sflag:$0x1] =	stream.linear.gather [hbm4b:s0+s2], $0x80, $0x38;
	[tilespmem:$0x8200] =	vst v63  }
0x3b: {  	s0 =	sadd.s32 s3, s1;
	s1 =	sand.u32 $0x1FFFFFF0, s21;
	s20 =	spop (v2sf)  }
0x3c: {  	[tilespmem:s18], [sflag:$0x1] =	stream.linear.gather [hbm4b:s0+s2], $0x80, $0x38;
	[tilespmem:$0x8200] =	vst v63  }
0x3d: {  	s0 =	sadd.s32 s3, s8;
	s8 =	sand.u32 $0x1FFFFFF0, s20  }
0x3e: {  	[tilespmem:s19], [sflag:$0x1] =	stream.linear.gather [hbm4b:s0+s2], $0x80, $0x38;
	[tilespmem:$0x8200] =	vst v63  }
0x3f: {  	s1 =	sadd.s32 s3, s1;
	s0 =	sadd.s32 $0x900, s14  }
0x40: {  	[tilespmem:s0], [sflag:$0x1] =	stream.linear.gather [hbm4b:s1+s2], $0x80, $0x38;
	[tilespmem:$0x8200] =	vst v63  }
0x41: {  	s0 =	sadd.s32 $0x980, s14;
	s1 =	sadd.s32 s3, s8  }
0x42: {  	[tilespmem:s0], [sflag:$0x1] =	stream.linear.gather [hbm4b:s1+s2], $0x80, $0x38;
	[tilespmem:$0x8200] =	vst v63  }
0x43: {  	v0 =	vld [tilespmem:s16+$0x0];
	_ =	sdelay $0x4  }
0x44: {  	v0 =	vshll.u32 v0, $0x4  }
0x45: {  	(v2sf) =	vpush v0, $0x0  }
0x46: {  	(v2sf) =	vpush v0, $0x1  }
0x47: {  	(v2sf) =	vpush v0, $0x2;
	_ =	sdelay $0x1  }
0x48: {  	(v2sf) =	vpush v0, $0x4  }
.Ltmp0:
0x49: {  	(pc) =	sbr.rel @p0 .LBB2_2-.Ltmp0, $3  }
0x4a: {  	(v2sf) =	vpush v0, $0x3  }
0x4b: {  	(v2sf) =	vpush v0, $0x5;
	_ =	sdelay $0x1  }
0x4c: {  	s14 =	sshra.s32 s17, $0x2;
	(v2sf) =	vpush v0, $0x6  }
0x4d: {  	_ =	sdelay $0x1  }
0x4e: {  	s0 =	sadd.s32 $0x280, s14;
	s17 =	sadd.s32 $0x780, s14  }
0x4f: {  	s1 =	sadd.s32 $0x580, s14;
	s15 =	sadd.s32 $0x800, s14;
	(v2sf) =	vpush v0, $0x7;
	s8 =	sadd.s32 $0x480, s14  }
0x50: {  	s18 =	sadd.s32 $0x600, s14;
	s16 =	sadd.s32 $0x880, s14;
	s19 =	sadd.s32 $0x200, s14  }
0x51: {  	s20 =	sadd.s32 $0x400, s14;
	s21 =	sadd.s32 $0x500, s14;
	(v2sf) =	vpush v0, $0x8;
	s22 =	spop (v2sf)  }
0x52: {  	s23 =	sadd.s32 $0x300, s14;
	s22 =	sand.u32 $0x1FFFFFF0, s22;
	s24 =	spop (v2sf)  }
0x53: {  	(v2sf) =	vpush v0, $0x9;
	s22 =	sadd.s32 s3, s22;
	s24 =	sand.u32 $0x1FFFFFF0, s24;
	s25 =	spop (v2sf)  }
0x54: {  	[tilespmem:s19], [sflag:$0x1] =	stream.linear.gather [hbm4b:s22+s2], $0x80, $0x38;
	[tilespmem:$0x8200] =	vst v63  }
0x55: {  	s26 =	sadd.s32 $0x380, s14;
	(v2sf) =	vpush v0, $0xA;
	s30 =	sadd.s32 s3, s24;
	s31 =	spop (v2sf)  }
0x56: {  	[tilespmem:s0], [sflag:$0x1] =	stream.linear.gather [hbm4b:s30+s2], $0x80, $0x38;
	[tilespmem:$0x8200] =	vst v63  }
0x57: {  	s19 =	sadd.s32 $0x700, s14;
	s28 =	sand.u32 $0x1FFFFFF0, s25;
	(v2sf) =	vpush v0, $0xB;
	s29 =	spop (v2sf)  }
0x58: {  	s22 =	sadd.s32 s3, s28;
	s0 =	sadd.s32 $0x680, s14;
	s25 =	sand.u32 $0x1FFFFFF0, s29  }
0x59: {  	(v2sf) =	vpush v0, $0xC;
	[tilespmem:s23], [sflag:$0x1] =	stream.linear.gather [hbm4b:s22+s2], $0x80, $0x38;
	[tilespmem:$0x8200] =	vst v63  }
0x5a: {  	s30 =	sand.u32 $0x1FFFFFF0, s31;
	s31 =	spop (v2sf);
	s28 =	sadd.s32 s3, s25  }
0x5b: {  	(v2sf) =	vpush v0, $0xD;
	[tilespmem:s26], [sflag:$0x1] =	stream.linear.gather [hbm4b:s28+s2], $0x80, $0x38;
	[tilespmem:$0x8200] =	vst v63  }
0x5c: {  	s22 =	sadd.s32 s3, s30;
	s23 =	sand.u32 $0x1FFFFFF0, s31;
	s29 =	spop (v2sf)  }
0x5d: {  	(v2sf) =	vpush v0, $0xE;
	[tilespmem:s20], [sflag:$0x1] =	stream.linear.gather [hbm4b:s22+s2], $0x80, $0x38;
	[tilespmem:$0x8200] =	vst v63  }
0x5e: {  	s23 =	sadd.s32 s3, s23;
	s30 =	sand.u32 $0x1FFFFFF0, s29;
	s31 =	spop (v2sf)  }
0x5f: {  	(v2sf) =	vpush v0, $0xF;
	[tilespmem:s8], [sflag:$0x1] =	stream.linear.gather [hbm4b:s23+s2], $0x80, $0x38;
	[tilespmem:$0x8200] =	vst v63  }
0x60: {  	s24 =	sand.u32 $0x1FFFFFF0, s31;
	s25 =	spop (v2sf);
	s20 =	sadd.s32 s3, s30  }
0x61: {  	[tilespmem:s21], [sflag:$0x1] =	stream.linear.gather [hbm4b:s20+s2], $0x80, $0x38;
	[tilespmem:$0x8200] =	vst v63  }
0x62: {  	s26 =	sand.u32 $0x1FFFFFF0, s25;
	s8 =	sadd.s32 s3, s24;
	s28 =	spop (v2sf)  }
0x63: {  	[tilespmem:s1], [sflag:$0x1] =	stream.linear.gather [hbm4b:s8+s2], $0x80, $0x38;
	[tilespmem:$0x8200] =	vst v63  }
0x64: {  	s20 =	sadd.s32 s3, s26;
	s29 =	sand.u32 $0x1FFFFFF0, s28;
	s30 =	spop (v2sf)  }
0x65: {  	[tilespmem:s18], [sflag:$0x1] =	stream.linear.gather [hbm4b:s20+s2], $0x80, $0x38;
	[tilespmem:$0x8200] =	vst v63  }
0x66: {  	s8 =	sand.u32 $0x1FFFFFF0, s30;
	s1 =	sadd.s32 s3, s29;
	s31 =	spop (v2sf)  }
0x67: {  	[tilespmem:s0], [sflag:$0x1] =	stream.linear.gather [hbm4b:s1+s2], $0x80, $0x38;
	[tilespmem:$0x8200] =	vst v63  }
0x68: {  	s8 =	sadd.s32 s3, s8;
	s20 =	sand.u32 $0x1FFFFFF0, s31;
	s21 =	spop (v2sf)  }
0x69: {  	[tilespmem:s19], [sflag:$0x1] =	stream.linear.gather [hbm4b:s8+s2], $0x80, $0x38;
	[tilespmem:$0x8200] =	vst v63  }
0x6a: {  	s0 =	sadd.s32 s3, s20;
	s1 =	sand.u32 $0x1FFFFFF0, s21;
	s22 =	spop (v2sf)  }
0x6b: {  	[tilespmem:s17], [sflag:$0x1] =	stream.linear.gather [hbm4b:s0+s2], $0x80, $0x38;
	[tilespmem:$0x8200] =	vst v63  }
0x6c: {  	s23 =	sand.u32 $0x1FFFFFF0, s22;
	s1 =	sadd.s32 s3, s1;
	s24 =	spop (v2sf)  }
0x6d: {  	[tilespmem:s15], [sflag:$0x1] =	stream.linear.gather [hbm4b:s1+s2], $0x80, $0x38;
	[tilespmem:$0x8200] =	vst v63  }
0x6e: {  	s25 =	sand.u32 $0x1FFFFFF0, s24;
	s26 =	spop (v2sf);
	s0 =	sadd.s32 s3, s23  }
0x6f: {  	[tilespmem:s16], [sflag:$0x1] =	stream.linear.gather [hbm4b:s0+s2], $0x80, $0x38;
	[tilespmem:$0x8200] =	vst v63  }
0x70: {  	s29 =	sadd.s32 $0x900, s14;
	s28 =	sand.u32 $0x1FFFFFF0, s26;
	s1 =	sadd.s32 s3, s25  }
0x71: {  	[tilespmem:s29], [sflag:$0x1] =	stream.linear.gather [hbm4b:s1+s2], $0x80, $0x38;
	[tilespmem:$0x8200] =	vst v63  }
0x72: {  	s30 =	sadd.s32 $0x980, s14;
	s0 =	sadd.s32 s3, s28  }
0x73: {  	[tilespmem:s30], [sflag:$0x1] =	stream.linear.gather [hbm4b:s0+s2], $0x80, $0x38;
	[tilespmem:$0x8200] =	vst v63  }
0x74: {  	_ =	swait.ge [sflag:s11], $0x8000  }
0x75: {  	[sflag:s11] =	ssyncset.done $0x0  }
0x76: {  	s14 =	simm.s32 $0x0;
	[sflag:s11] =	ssyncadd.s32 $0xFFFF8000  }
0x77: {  	[hbm4b:s5+s14] =	stream.linear.scatter [tilespmem:s12], [sflag:$0x2], $0x8000, $0x38;
	[tilespmem:$0x8200] =	vst v63  }
0x78: {  	_ =	swait.ge [sflag:s10], $0x8000  }
0x79: {  	[sflag:s10] =	ssyncset.done $0x0  }
0x7a: {  	s31 =	sand.u32 $0xF0, s14;
	[sflag:s10] =	ssyncadd.s32 $0xFFFF8000  }
0x7b: {  	v0 =	vld [tilespmem:s31+$0x100];
	_ =	sdelay $0x4  }
0x7c: {  	v0 =	vshll.u32 v0, $0x4  }
0x7d: {  	(v2sf) =	vpush v0, $0x0  }
0x7e: {  	(v2sf) =	vpush v0, $0x2  }
0x7f: {  	(v2sf) =	vpush v0, $0x1;
	_ =	sdelay $0x1  }
0x80: {  	(v2sf) =	vpush v0, $0x3  }
0x81: {  	(v2sf) =	vpush v0, $0x4;
	_ =	sdelay $0x2  }
0x82: {  	s15 =	simm.s32 $0x2000;
	s16 =	simm.s32 $0x10  }
.LBB2_4:
0x83: {  	p0 =	sne.s32 s15, $0x1E000;
	(v2sf) =	vpush v0, $0x5;
	s0 =	smov.u32 s15;
	s15 =	sadd.s32 $0x2000, s15  }
0x84: {  	s17 =	sshra.s32 s14, $0x2;
	s14 =	smov.u32 s0  }
0x85: {  	s0 =	sadd.s32 $0x280, s17;
	(v2sf) =	vpush v0, $0x6  }
0x86: {  	s1 =	sadd.s32 $0x200, s17  }
0x87: {  	s20 =	sadd.s32 $0x780, s17;
	s19 =	sadd.s32 $0x800, s17;
	s18 =	sadd.s32 $0x880, s17;
	(v2sf) =	vpush v0, $0x7  }
0x88: {  	s23 =	sadd.s32 $0x600, s17;
	s22 =	sadd.s32 $0x680, s17;
	s21 =	sadd.s32 $0x700, s17  }
0x89: {  	s8 =	sadd.s32 $0x500, s17;
	s24 =	sadd.s32 $0x580, s17;
	s25 =	spop (v2sf);
	(v2sf) =	vpush v0, $0x8  }
0x8a: {  	s26 =	sadd.s32 $0x300, s17;
	s25 =	sand.u32 $0x1FFFFFF0, s25;
	s28 =	spop (v2sf)  }
0x8b: {  	s29 =	sadd.s32 $0x480, s17;
	s25 =	sadd.s32 s3, s25;
	s30 =	spop (v2sf);
	(v2sf) =	vpush v0, $0x9  }
0x8c: {  	[tilespmem:s1], [sflag:$0x1] =	stream.linear.gather [hbm4b:s25+s2], $0x80, $0x38;
	[tilespmem:$0x8200] =	vst v63  }
0x8d: {  	s1 =	sand.u32 $0x1FFFFFF0, s30;
	s25 =	sand.u32 $0x1FFFFFF0, s28;
	s28 =	spop (v2sf);
	(v2sf) =	vpush v0, $0xA  }
0x8e: {  	s30 =	sadd.s32 $0x400, s17;
	s1 =	sadd.s32 s3, s1;
	s31 =	spop (v2sf)  }
0x8f: {  	[tilespmem:s0], [sflag:$0x1] =	stream.linear.gather [hbm4b:s1+s2], $0x80, $0x38;
	(v2sf) =	vpush v0, $0xB;
	[tilespmem:$0x8200] =	vst v63  }
0x90: {  	s0 =	sadd.s32 s3, s25;
	s1 =	sand.u32 $0x1FFFFFF0, s28;
	s25 =	sand.u32 $0x1FFFFFF0, s31  }
0x91: {  	[tilespmem:s26], [sflag:$0x1] =	stream.linear.gather [hbm4b:s0+s2], $0x80, $0x38;
	(v2sf) =	vpush v0, $0xC;
	[tilespmem:$0x8200] =	vst v63  }
0x92: {  	s1 =	sadd.s32 s3, s1;
	s0 =	sadd.s32 $0x380, s17;
	s26 =	spop (v2sf)  }
0x93: {  	[tilespmem:s0], [sflag:$0x1] =	stream.linear.gather [hbm4b:s1+s2], $0x80, $0x38;
	(v2sf) =	vpush v0, $0xD;
	[tilespmem:$0x8200] =	vst v63  }
0x94: {  	s0 =	sadd.s32 s3, s25;
	s1 =	sand.u32 $0x1FFFFFF0, s26;
	s25 =	spop (v2sf)  }
0x95: {  	[tilespmem:s30], [sflag:$0x1] =	stream.linear.gather [hbm4b:s0+s2], $0x80, $0x38;
	(v2sf) =	vpush v0, $0xE;
	[tilespmem:$0x8200] =	vst v63  }
0x96: {  	s0 =	sadd.s32 s3, s1;
	s1 =	sand.u32 $0x1FFFFFF0, s25;
	s25 =	spop (v2sf)  }
0x97: {  	[tilespmem:s29], [sflag:$0x1] =	stream.linear.gather [hbm4b:s0+s2], $0x80, $0x38;
	(v2sf) =	vpush v0, $0xF;
	[tilespmem:$0x8200] =	vst v63  }
0x98: {  	s0 =	sadd.s32 s3, s1;
	s1 =	sand.u32 $0x1FFFFFF0, s25;
	s25 =	spop (v2sf)  }
0x99: {  	[tilespmem:s8], [sflag:$0x1] =	stream.linear.gather [hbm4b:s0+s2], $0x80, $0x38;
	[tilespmem:$0x8200] =	vst v63  }
0x9a: {  	s0 =	sadd.s32 s3, s1;
	s1 =	sand.u32 $0x1FFFFFF0, s25;
	s8 =	spop (v2sf)  }
0x9b: {  	[tilespmem:s24], [sflag:$0x1] =	stream.linear.gather [hbm4b:s0+s2], $0x80, $0x38;
	[tilespmem:$0x8200] =	vst v63  }
0x9c: {  	s0 =	sadd.s32 s3, s1;
	s1 =	sand.u32 $0x1FFFFFF0, s8;
	s8 =	spop (v2sf)  }
0x9d: {  	[tilespmem:s23], [sflag:$0x1] =	stream.linear.gather [hbm4b:s0+s2], $0x80, $0x38;
	[tilespmem:$0x8200] =	vst v63  }
0x9e: {  	s0 =	sadd.s32 s3, s1;
	s1 =	sand.u32 $0x1FFFFFF0, s8;
	s8 =	spop (v2sf)  }
0x9f: {  	[tilespmem:s22], [sflag:$0x1] =	stream.linear.gather [hbm4b:s0+s2], $0x80, $0x38;
	[tilespmem:$0x8200] =	vst v63  }
0xa0: {  	s0 =	sadd.s32 s3, s1;
	s1 =	sand.u32 $0x1FFFFFF0, s8;
	s8 =	spop (v2sf)  }
0xa1: {  	[tilespmem:s21], [sflag:$0x1] =	stream.linear.gather [hbm4b:s0+s2], $0x80, $0x38;
	[tilespmem:$0x8200] =	vst v63  }
0xa2: {  	s0 =	sadd.s32 s3, s1;
	s1 =	sand.u32 $0x1FFFFFF0, s8;
	s8 =	spop (v2sf)  }
0xa3: {  	[tilespmem:s20], [sflag:$0x1] =	stream.linear.gather [hbm4b:s0+s2], $0x80, $0x38;
	[tilespmem:$0x8200] =	vst v63  }
0xa4: {  	s0 =	sadd.s32 s3, s1;
	s1 =	sand.u32 $0x1FFFFFF0, s8;
	s8 =	spop (v2sf)  }
0xa5: {  	[tilespmem:s19], [sflag:$0x1] =	stream.linear.gather [hbm4b:s0+s2], $0x80, $0x38;
	[tilespmem:$0x8200] =	vst v63  }
0xa6: {  	s0 =	sadd.s32 s3, s1;
	s1 =	sand.u32 $0x1FFFFFF0, s8;
	s8 =	spop (v2sf)  }
0xa7: {  	[tilespmem:s18], [sflag:$0x1] =	stream.linear.gather [hbm4b:s0+s2], $0x80, $0x38;
	[tilespmem:$0x8200] =	vst v63  }
0xa8: {  	s1 =	sadd.s32 s3, s1;
	s0 =	sadd.s32 $0x900, s17;
	s8 =	sand.u32 $0x1FFFFFF0, s8  }
0xa9: {  	[tilespmem:s0], [sflag:$0x1] =	stream.linear.gather [hbm4b:s1+s2], $0x80, $0x38;
	[tilespmem:$0x8200] =	vst v63  }
0xaa: {  	s8 =	sadd.s32 s3, s8;
	s0 =	sand.u32 $0xF0, s16;
	s1 =	sadd.s32 $0x980, s17  }
0xab: {  	[tilespmem:s1], [sflag:$0x1] =	stream.linear.gather [hbm4b:s8+s2], $0x80, $0x38;
	[tilespmem:$0x8200] =	vst v63  }
0xac: {  	v0 =	vld [tilespmem:s0+$0x100];
	_ =	sdelay $0x4  }
0xad: {  	v0 =	vshll.u32 v0, $0x4  }
0xae: {  	(v2sf) =	vpush v0, $0x0  }
0xaf: {  	(v2sf) =	vpush v0, $0x2  }
0xb0: {  	(v2sf) =	vpush v0, $0x1;
	_ =	sdelay $0x1  }
.Ltmp1:
0xb1: {  	(v2sf) =	vpush v0, $0x3;
	(pc) =	sbr.rel @p0 .LBB2_4-.Ltmp1, $2  }
0xb2: {  	(v2sf) =	vpush v0, $0x4;
	_ =	sdelay $0x2  }
0xb3: {  	s16 =	sadd.s32 $0x10, s16  }
0xb4: {  	(v2sf) =	vpush v0, $0x5;
	_ =	sdelay $0x1  }
0xb5: {  	s14 =	sshra.s32 s14, $0x2;
	(v2sf) =	vpush v0, $0x6  }
0xb6: {  	s0 =	sadd.s32 $0x280, s14;
	s1 =	sadd.s32 $0x200, s14  }
0xb7: {  	s17 =	sadd.s32 $0x780, s14;
	s16 =	sadd.s32 $0x800, s14;
	s15 =	sadd.s32 $0x880, s14;
	(v2sf) =	vpush v0, $0x7  }
0xb8: {  	s8 =	sadd.s32 $0x600, s14;
	s18 =	sadd.s32 $0x680, s14;
	s19 =	sadd.s32 $0x700, s14  }
0xb9: {  	s20 =	sadd.s32 $0x500, s14;
	s21 =	sadd.s32 $0x580, s14;
	s22 =	spop (v2sf);
	(v2sf) =	vpush v0, $0x8  }
0xba: {  	s23 =	sadd.s32 $0x300, s14;
	s22 =	sand.u32 $0x1FFFFFF0, s22;
	s24 =	spop (v2sf)  }
0xbb: {  	s25 =	sadd.s32 $0x480, s14;
	s22 =	sadd.s32 s3, s22;
	s26 =	spop (v2sf);
	(v2sf) =	vpush v0, $0x9  }
0xbc: {  	[tilespmem:s1], [sflag:$0x1] =	stream.linear.gather [hbm4b:s22+s2], $0x80, $0x38;
	[tilespmem:$0x8200] =	vst v63  }
0xbd: {  	s30 =	sand.u32 $0x1FFFFFF0, s24;
	s29 =	sand.u32 $0x1FFFFFF0, s26;
	s31 =	spop (v2sf);
	(v2sf) =	vpush v0, $0xA  }
0xbe: {  	s26 =	sadd.s32 $0x400, s14;
	s1 =	sadd.s32 s3, s29;
	s28 =	spop (v2sf)  }
0xbf: {  	[tilespmem:s0], [sflag:$0x1] =	stream.linear.gather [hbm4b:s1+s2], $0x80, $0x38;
	(v2sf) =	vpush v0, $0xB;
	[tilespmem:$0x8200] =	vst v63  }
0xc0: {  	s22 =	sadd.s32 s3, s30;
	s30 =	sadd.s32 $0x380, s14;
	s24 =	sand.u32 $0x1FFFFFF0, s31  }
0xc1: {  	(v2sf) =	vpush v0, $0xC;
	[tilespmem:s23], [sflag:$0x1] =	stream.linear.gather [hbm4b:s22+s2], $0x80, $0x38;
	[tilespmem:$0x8200] =	vst v63  }
0xc2: {  	s29 =	sand.u32 $0x1FFFFFF0, s28;
	s1 =	sadd.s32 s3, s24;
	s31 =	spop (v2sf)  }
0xc3: {  	[tilespmem:s30], [sflag:$0x1] =	stream.linear.gather [hbm4b:s1+s2], $0x80, $0x38;
	(v2sf) =	vpush v0, $0xD;
	[tilespmem:$0x8200] =	vst v63  }
0xc4: {  	s1 =	sadd.s32 s3, s29;
	s22 =	sand.u32 $0x1FFFFFF0, s31;
	s23 =	spop (v2sf)  }
0xc5: {  	(v2sf) =	vpush v0, $0xE;
	[tilespmem:s26], [sflag:$0x1] =	stream.linear.gather [hbm4b:s1+s2], $0x80, $0x38;
	[tilespmem:$0x8200] =	vst v63  }
0xc6: {  	s24 =	sadd.s32 s3, s22;
	s26 =	sand.u32 $0x1FFFFFF0, s23;
	s28 =	spop (v2sf)  }
0xc7: {  	(v2sf) =	vpush v0, $0xF;
	[tilespmem:s25], [sflag:$0x1] =	stream.linear.gather [hbm4b:s24+s2], $0x80, $0x38;
	[tilespmem:$0x8200] =	vst v63  }
0xc8: {  	s29 =	sadd.s32 s3, s26;
	s30 =	sand.u32 $0x1FFFFFF0, s28;
	s31 =	spop (v2sf)  }
0xc9: {  	[tilespmem:s20], [sflag:$0x1] =	stream.linear.gather [hbm4b:s29+s2], $0x80, $0x38;
	[tilespmem:$0x8200] =	vst v63  }
0xca: {  	s20 =	sadd.s32 s3, s30;
	s23 =	sand.u32 $0x1FFFFFF0, s31;
	s24 =	spop (v2sf)  }
0xcb: {  	[tilespmem:s21], [sflag:$0x1] =	stream.linear.gather [hbm4b:s20+s2], $0x80, $0x38;
	[tilespmem:$0x8200] =	vst v63  }
0xcc: {  	s25 =	sadd.s32 s3, s23;
	s26 =	sand.u32 $0x1FFFFFF0, s24;
	s28 =	spop (v2sf)  }
0xcd: {  	[tilespmem:s8], [sflag:$0x1] =	stream.linear.gather [hbm4b:s25+s2], $0x80, $0x38;
	[tilespmem:$0x8200] =	vst v63  }
0xce: {  	s29 =	sadd.s32 s3, s26;
	s30 =	sand.u32 $0x1FFFFFF0, s28;
	s31 =	spop (v2sf)  }
0xcf: {  	[tilespmem:s18], [sflag:$0x1] =	stream.linear.gather [hbm4b:s29+s2], $0x80, $0x38;
	[tilespmem:$0x8200] =	vst v63  }
0xd0: {  	s1 =	sadd.s32 s3, s30;
	s8 =	sand.u32 $0x1FFFFFF0, s31;
	s18 =	spop (v2sf)  }
0xd1: {  	[tilespmem:s19], [sflag:$0x1] =	stream.linear.gather [hbm4b:s1+s2], $0x80, $0x38;
	[tilespmem:$0x8200] =	vst v63  }
0xd2: {  	s20 =	sand.u32 $0x1FFFFFF0, s18;
	s19 =	sadd.s32 s3, s8;
	s21 =	spop (v2sf)  }
0xd3: {  	[tilespmem:s17], [sflag:$0x1] =	stream.linear.gather [hbm4b:s19+s2], $0x80, $0x38;
	[tilespmem:$0x8200] =	vst v63  }
0xd4: {  	s22 =	sadd.s32 s3, s20;
	s23 =	sand.u32 $0x1FFFFFF0, s21;
	s24 =	spop (v2sf)  }
0xd5: {  	[tilespmem:s16], [sflag:$0x1] =	stream.linear.gather [hbm4b:s22+s2], $0x80, $0x38;
	[tilespmem:$0x8200] =	vst v63  }
0xd6: {  	s25 =	sadd.s32 s3, s23;
	s26 =	sand.u32 $0x1FFFFFF0, s24;
	s28 =	spop (v2sf)  }
0xd7: {  	[tilespmem:s15], [sflag:$0x1] =	stream.linear.gather [hbm4b:s25+s2], $0x80, $0x38;
	[tilespmem:$0x8200] =	vst v63  }
0xd8: {  	s29 =	sadd.s32 $0x900, s14;
	s1 =	sadd.s32 s3, s26;
	s8 =	sand.u32 $0x1FFFFFF0, s28  }
0xd9: {  	[tilespmem:s29], [sflag:$0x1] =	stream.linear.gather [hbm4b:s1+s2], $0x80, $0x38;
	[tilespmem:$0x8200] =	vst v63  }
0xda: {  	s30 =	sadd.s32 $0x980, s14;
	s31 =	sadd.s32 s3, s8  }
0xdb: {  	[tilespmem:s30], [sflag:$0x1] =	stream.linear.gather [hbm4b:s31+s2], $0x80, $0x38;
	[tilespmem:$0x8200] =	vst v63  }
0xdc: {  	s13 =	sadd.s32 $0x1, s13;
	_ =	swait.ge [sflag:s11], $0x8000  }
0xdd: {  	p0 =	sne.s32 s13, s7;
	[sflag:s11] =	ssyncset.done $0x0  }
.Ltmp2:
0xde: {  	[sflag:s11] =	ssyncadd.s32 $0xFFFF8000;
	(pc) =	sbr.rel @p0 .LBB2_1-.Ltmp2, $4  }
0xdf: {  	[hbm4b:s6+s2] =	stream.linear.scatter [tilespmem:s12], [sflag:$0x2], $0x8000, $0x38;
	[tilespmem:$0x8200] =	vst v63  }
0xe0: {  	_ =	swait.ge [sflag:s10], $0x8000  }
0xe1: {  	[sflag:s10] =	ssyncset.done $0x0  }
0xe2: {  	[sflag:s10] =	ssyncadd.s32 $0xFFFF8000  }
0xe3: {  	_ =	sfence.sel $0x180000  }
0xe4: {  	[bflag:$0x0] =	sbarrier.arrive $0xFFFF  }
0xe5: {  	_ =	strace $0x9000004A  }
0xe6: {  	s0 =	stileid.u32;
	[bflag:$0x2] =	sbarrier.arrive $0xFFFF  }
0xe7: {  	p0 =	sne.s32 s0, $0x0;
	s0 =	rddreg [dreg:$0x2]  }
0xe8: {  	s0 =	sadd.s32 @!p0 $0x100000, s0  }
0xe9: {  	[sflag:s0] =	ssyncadd.tile.s32 @!p0 $0x1;
	_ =	shalt  }
.Lfunc_end2:
_tile_overlayer_lowered:
.L_overlay_start_2:
0xea: {  	(tag) =	ssettag $0x2  }
0xeb: {  	s0 =	rddreg [dreg:$0x0];
	s2 =	stileid.u32  }
0xec: {  	s1 =	rddreg [dreg:$0x1];
	p0 =	sne.s32 s2, $0x0  }
0xed: {  	s3 =	rddreg [dreg:$0x2];
	[bflag:$0x3] =	sbarrier.arrive $0xFFFF;
	s2 =	simm.s32 @!p0 $0x1C02  }
0xee: {  	[timem:s3], [sflag:s2] =	dma.local @!p0 [hbm:s0], s1  }
0xef: {  	s0 =	simm.s32 @!p0 $0x2  }
0xf0: {  	_ =	swait.ge @!p0 [sflag:s0], s1  }
0xf1: {  	s1 =	ssub.s32 @!p0 $0x0, s1;
	[sflag:s0] =	ssyncset.done @!p0 $0x0  }
0xf2: {  	[sflag:s0] =	ssyncadd.s32 @!p0 s1  }
0xf3: {  	[bflag:$0x3] =	sbarrier.arrive $0xFFFF  }
0xf4: {  	_ =	shalt  }

// kernel: kernel.9.cloned.1.call-start
scs
__scs_entry_jumppad:
0x0: {  	(pc) =	sbr.rel $0x88, $3  }
0x1: {  	(tag) =	ssettag $0x0;
	lr =	simm.s32 $0x1  }
0x2: {  	[smem:$0x3F94] =	sst lr;
	_ =	strace $0xD0000000  }
0x3: {  	_ = 	snop  }
0x4: {  	_ = 	snop  }
0x5: {  	_ = 	snop  }
0x6: {  	_ = 	snop  }
0x7: {  	_ = 	snop  }
__scs_overlays_trampoline_lowered:
0x8: {  	[smem:$0x3FA3] =	sst s0  }
0x9: {  	[smem:$0x3FA4] =	sst s1  }
0xa: {  	[smem:$0x3FA5] =	sst s2  }
0xb: {  	[smem:$0x3FA6] =	sst s3  }
0xc: {  	[smem:$0x3FA7] =	sst s4  }
0xd: {  	[smem:$0x3FA8] =	sst s5  }
0xe: {  	[smem:$0x3FA9] =	sst s6  }
0xf: {  	[smem:$0x3FAA] =	sst s7  }
0x10: {  	[smem:$0x3FAB] =	sst s8  }
0x11: {  	[smem:$0x3FAC] =	sst s9;
	s0 =	simm.s32 @!p0 $0x0  }
0x12: {  	s1 =	sld [smem:$0x3F92];
	s0 =	simm.s32 @p0 $0x1  }
0x13: {  	[smem:$0x3FAD] =	sst s0;
	s0 =	simm.s32 @!p1 $0x0  }
0x14: {  	s2 =	sld [smem:$0x3F91];
	s0 =	simm.s32 @p1 $0x1  }
0x15: {  	[smem:$0x3FAE] =	sst s0;
	s0 =	simm.s32 @!p2 $0x0  }
0x16: {  	s3 =	sld [smem:$0x3FDB];
	s0 =	simm.s32 @p2 $0x1  }
0x17: {  	s4 =	simm.s32 $0x1BF5;
	[smem:$0x3FB0] =	sst s0  }
0x18: {  	s0 =	sld [smem:$0x3F93];
	_ =	swait.ge [sflag:s4], $0x0  }
0x19: {  	s7 =	sld [smem:$0x3F94]  }
0x1a: {  	s8 =	sadd.s32 $0xFFFFE003, lr  }
0x1b: {  	s9 =	sadd.s32 $0xFFFFFEF7, lr;
	s5 =	simm.s32 $0xFFFFFFFF;
	p2 =	slt.u32 s8, $0xFFFFF086  }
0x1c: {  	p1 =	slt.u32 s9, $0xF7A;
	s5 =	simm.s32 @!p2 $0x0  }
0x1d: {  	s5 =	simm.s32 @p1 $0x1;
	p0 =	seq.s32 s7, s2  }
0x1e: {  	s7 =	smul.u32 @!p0 $0xF7A, s2;
	p2 =	seq.s32 @!p0 s5, $0x0  }
0x1f: {  	s9 =	smul.u32 $0xF7A, s1;
	s8 =	simm.s32 @!p0 $0x1BF5;
	p2 =	por !p2, p0  }
0x20: {  	[sflag:s8] =	ssyncset.s32 @!p0 $0xFFFFF086;
	s6 =	sadd.s32 @!p0 s3, s7;
	s7 =	simm.s32 @!p0 $0x108  }
0x21: {  	s3 =	sadd.s32 s3, s9;
	s6 =	sadd.s32 @!p0 $0x88, s6;
	s7 =	simm.s32 @p2 $0x1082  }
0x22: {  	[simem:s7], [sflag:s8] =	dma.local @!p0 [hbm:s6], $0xF7A  }
0x23: {  	s9 =	sor.u32 $0xD0000000, s2;
	s6 =	simm.s32 $0x108;
	_ =	swait.ge @!p0 [sflag:s8], $0x0  }
0x24: {  	s3 =	sadd.s32 $0x88, s3;
	s6 =	simm.s32 @!p1 $0x1082;
	[sflag:s4] =	ssyncset.s32 $0xFFFFF086  }
0x25: {  	[simem:s6], [sflag:s4] =	dma.local [hbm:s3], $0xF7A  }
0x26: {  	[smem:$0x3F94] =	sst s1;
	(tag) =	ssettag s2;
	_ =	strace s9  }
0x27: {  	s1 =	sld [smem:$0x3FA4]  }
0x28: {  	s2 =	sld [smem:$0x3FA5]  }
0x29: {  	s4 =	sld [smem:$0x3FA7]  }
0x2a: {  	p0 =	seq.s32 s5, $0x0;
	s5 =	sld [smem:$0x3FA8]  }
0x2b: {  	s6 =	sld [smem:$0x3FA9]  }
0x2c: {  	s7 =	sld [smem:$0x3FAA]  }
0x2d: {  	s3 =	simm.s32 $0x108;
	s8 =	sld [smem:$0x3FAB]  }
0x2e: {  	s3 =	simm.s32 @!p0 $0x1082;
	s9 =	sld [smem:$0x3FAC]  }
0x2f: {  	lr =	sadd.s32 s0, s3;
	s0 =	sld [smem:$0x3FA3]  }
0x30: {  	s3 =	sld [smem:$0x3FA6]  }
0x31: {  	[smem:$0x3FAF] =	sst s10  }
0x32: {  	s10 =	sld [smem:$0x3FAD];
	_ =	sdelay $0x3  }
0x33: {  	p0 =	seq.s32 s10, $0x1;
	s10 =	sld [smem:$0x3FAF];
	_ =	sdelay $0x3  }
0x34: {  	[smem:$0x3FAF] =	sst s10  }
0x35: {  	s10 =	sld [smem:$0x3FAE];
	_ =	sdelay $0x3  }
0x36: {  	p1 =	seq.s32 s10, $0x1;
	s10 =	sld [smem:$0x3FAF];
	_ =	sdelay $0x3  }
0x37: {  	[smem:$0x3FAF] =	sst s10  }
0x38: {  	s10 =	sld [smem:$0x3FB0]  }
0x39: {  	_ = 	snop;
	(pc) =	sbr.ind lr, $3  }
0x3a: {  	_ = 	snop  }
0x3b: {  	_ = 	snop  }
0x3c: {  	p2 =	seq.s32 s10, $0x1;
	s10 =	sld [smem:$0x3FAF]  }
0x3d: {  	_ =	shalt  }
0x3e: {  	_ =	shalt  }
0x3f: {  	_ =	shalt  }
0x40: {  	_ =	shalt  }
0x41: {  	_ =	shalt  }
0x42: {  	_ =	shalt  }
0x43: {  	_ =	shalt  }
0x44: {  	_ =	shalt  }
0x45: {  	_ =	shalt  }
0x46: {  	_ =	shalt  }
0x47: {  	_ =	shalt  }
0x48: {  	_ =	shalt  }
0x49: {  	_ =	shalt  }
0x4a: {  	_ =	shalt  }
0x4b: {  	_ =	shalt  }
0x4c: {  	_ =	shalt  }
0x4d: {  	_ =	shalt  }
0x4e: {  	_ =	shalt  }
0x4f: {  	_ =	shalt  }
0x50: {  	_ =	shalt  }
0x51: {  	_ =	shalt  }
0x52: {  	_ =	shalt  }
0x53: {  	_ =	shalt  }
0x54: {  	_ =	shalt  }
0x55: {  	_ =	shalt  }
0x56: {  	_ =	shalt  }
0x57: {  	_ =	shalt  }
0x58: {  	_ =	shalt  }
0x59: {  	_ =	shalt  }
0x5a: {  	_ =	shalt  }
0x5b: {  	_ =	shalt  }
0x5c: {  	_ =	shalt  }
0x5d: {  	_ =	shalt  }
0x5e: {  	_ =	shalt  }
0x5f: {  	_ =	shalt  }
0x60: {  	_ =	shalt  }
0x61: {  	_ =	shalt  }
0x62: {  	_ =	shalt  }
0x63: {  	_ =	shalt  }
0x64: {  	_ =	shalt  }
0x65: {  	_ =	shalt  }
0x66: {  	_ =	shalt  }
0x67: {  	_ =	shalt  }
0x68: {  	_ =	shalt  }
0x69: {  	_ =	shalt  }
0x6a: {  	_ =	shalt  }
0x6b: {  	_ =	shalt  }
0x6c: {  	_ =	shalt  }
0x6d: {  	_ =	shalt  }
0x6e: {  	_ =	shalt  }
0x6f: {  	_ =	shalt  }
0x70: {  	_ =	shalt  }
0x71: {  	_ =	shalt  }
0x72: {  	_ =	shalt  }
0x73: {  	_ =	shalt  }
0x74: {  	_ =	shalt  }
0x75: {  	_ =	shalt  }
0x76: {  	_ =	shalt  }
0x77: {  	_ =	shalt  }
0x78: {  	_ =	shalt  }
0x79: {  	_ =	shalt  }
0x7a: {  	_ =	shalt  }
0x7b: {  	_ =	shalt  }
0x7c: {  	_ =	shalt  }
0x7d: {  	_ =	shalt  }
0x7e: {  	_ =	shalt  }
0x7f: {  	_ =	shalt  }
0x80: {  	_ =	shalt  }
0x81: {  	_ =	shalt  }
0x82: {  	_ =	shalt  }
0x83: {  	_ =	shalt  }
0x84: {  	_ =	shalt  }
0x85: {  	_ =	shalt  }
0x86: {  	_ =	shalt  }
0x87: {  	_ =	shalt  }
.Lfunc_end0:
.L_simem_size_0:
called_computation.1_lowered:
.L_overlay_start_0:
0x88: {  	s2 =	sld [smem:$0x3FD9]  }
0x89: {  	s3 =	sld [smem:$0x3FFE];
	_ =	sdelay $0x1  }
0x8a: {  	s1 =	srdreg.scid  }
0x8b: {  	s0 =	sand.u32 $0x1, s1  }
0x8c: {  	s16 =	sshll.u32 s0, $0xA;
	s2 =	sadd.s32 s3, s2  }
0x8d: {  	s2 =	sadd.s32 s2, s16  }
0x8e: {  	[smem:$0x3FBB] =	sst s2  }
0x8f: {  	_ = 	snop  }
0x90: {  	(tm) =	ssettm $0x1  }
0x91: {  	s17 =	sld [smem:$0x3FFB];
	_ =	sdelay $0x3  }
0x92: {  	_ =	strace s17  }
0x93: {  	s2 =	sld [smem:$0x3FFC];
	_ =	sdelay $0x3  }
0x94: {  	_ =	strace s2  }
0x95: {  	s2 =	sld [smem:$0x3FFD];
	_ =	sdelay $0x3  }
0x96: {  	_ =	strace s2  }
0x97: {  	_ =	strace $0x8FFFFFFF  }
0x98: {  	s18 =	sld [smem:$0x3FDB];
	_ =	sdelay $0x1  }
0x99: {  	s19 =	simm.s32 $_scs_section_size  }
0x9a: {  	s4 =	simm.s32 $_size__tile_overlayer_lowered;
	s5 =	simm.s32 $_tile_overlayer_lowered  }
0x9b: {  	s22 =	simm.s32 $0x1BFF;
	s21 =	sshll.u32 s5, $0x1;
	s2 =	sadd.s32 s19, s18  }
0x9c: {  	s6 =	simm.s32 $0x0;
	s20 =	sshll.u32 s4, $0x1;
	s4 =	sadd.s32 s21, s2  }
0x9d: {  	[timem:s6], [sflag:s22] =	dma.local [hbm:s4], s20  }
0x9e: {  	_ =	swait.ge [sflag:s22], s20  }
0x9f: {  	s3 =	ssub.s32 $0x0, s20;
	[sflag:s22] =	ssyncset.done $0x0  }
0xa0: {  	[sflag:s22] =	ssyncadd.s32 s3;
	_ =	sdelay $0x1  }
0xa1: {  	s23 =	simm.s32 $0x1B8B  }
0xa2: {  	_ =	swait.ge [sflag:s23], $0x1  }
0xa3: {  	[sflag:s23] =	ssyncset.done $0x0  }
0xa4: {  	s25 =	simm.s32 $0x1B8E;
	s24 =	sld [smem:$0x3FFE];
	[sflag:s23] =	ssyncadd.s32 $0xFFFFFFFF  }
0xa5: {  	s26 =	simm.s32 $execute0_lowered;
	[smem:$0x3FD2] =	sst s25  }
0xa6: {  	s4 =	sshll.u32 s26, $0x1;
	_ =	strace $0x80000046;
	[dreg:$0x1] =	wrdreg $0xFFFFFFFF  }
0xa7: {  	s28 =	simm.s32 $_size_execute0_lowered;
	s2 =	sadd.s32 s2, s4;
	[dreg:$0x0] =	wrdreg $0x0  }
0xa8: {  	s4 =	sshll.u32 s28, $0x1;
	[dreg:$0x2] =	wrdreg s2  }
0xa9: {  	[dreg:$0x3] =	wrdreg s4  }
0xaa: {  	[dreg:$0x4] =	wrdreg $0xC0  }
0xab: {  	_ =	task [dreg:s6], $0x5FFFF  }
0xac: {  	[dreg:$0x1] =	wrdreg $0xFFFFFFFF  }
0xad: {  	[dreg:$0x0] =	wrdreg $0x60  }
0xae: {  	[dreg:$0x2] =	wrdreg s24  }
0xaf: {  	[dreg:$0x3] =	wrdreg $0xA  }
0xb0: {  	_ =	task.clear_ibuf [dreg:s6], $0x4FFFF;
	_ =	strace $0x90000046  }
0xb1: {  	s29 =	simm.s32 $0xA;
	_ =	strace $0x80000048  }
0xb2: {  	_ =	swait.ge [sflag:s29], $0x1  }
0xb3: {  	[sflag:s29] =	ssyncadd.s32 $0xFFFFFFFF  }
0xb4: {  	_ =	strace $0x90000048  }
0xb5: {  	_ =	sfence  }
0xb6: {  	s30 =	sld [smem:$0x0];
	_ =	sdelay $0x2  }
0xb7: {  	s31 =	sshll.u32 s1, $0xD;
	s1 =	sshrl.u32 s1, $0x2  }
0xb8: {  	s3 =	sand.u32 $0x4000, s31;
	s1 =	sadd.s32 s1, s30  }
0xb9: {  	s0 =	sor.u32 s3, s0;
	s1 =	sshll.u32 s1, $0x11  }
0xba: {  	s0 =	sor.u32 s1, s0  }
0xbb: {  	s0 =	sadd.s32 $0x8F2B, s0  }
0xbc: {  	[sflag:s0] =	ssyncadd.remote.s32 $0x1  }
0xbd: {  	_ =	sfence.sel $0xFFFF  }
0xbe: {  	[dreg:$0x0] =	wrdreg $0xFFFFFFFF;
	(pc) =	sbr.abs _section_cstart, $3  }
0xbf: {  	[dreg:$0x1] =	wrdreg $0xFFFFFFFF  }
0xc0: {  	_ =	task.clear_ibuf [dreg:s6], $0x2FFFF;
	_ =	strace $0x9FFFFFFF  }
0xc1: {  	(tm) =	ssettm $0x7FFFFFFF  }
tec
execute0_lowered:
.L_overlay_start_1:
0x0: {  	(tag) =	ssettag $0x1  }
0x1: {  	s4 =	rddreg [dreg:$0x0]  }
0x2: {  	s0 =	rddreg [dreg:$0x1];
	s3 =	srdreg.scid  }
0x3: {  	s1 =	stileid.u32;
	s2 =	simm.s32 $0x0;
	s8 =	simm.s32 $0x400  }
0x4: {  	s9 =	simm.s32 $0x2;
	s10 =	simm.s32 $0x2400;
	s11 =	simm.s32 $0x200  }
0x5: {  	s12 =	simm.s32 $0x2600;
	s13 =	simm.s32 $0x1;
	s14 =	simm.s32 $0x0  }
0x6: {  	s3 =	sand.u32 $0x1, s3;
	s5 =	sshll.u32 s1, $0x8;
	s6 =	sshrl.u32 s1, $0x2  }
0x7: {  	[smem:$0x7FF] =	sst s2;
	s7 =	sshll.u32 s3, $0x7;
	s5 =	sand.u32 $0x300, s5  }
0x8: {  	s28 =	sshll.u32 s6, $0xC;
	s6 =	smul.u32 $0x12000, s6;
	s5 =	sor.u32 s7, s5  }
0x9: {  	_ =	strace $0x80000047;
	s30 =	ssub.s32 $0x2, s3;
	s7 =	sor.u32 s28, s5  }
0xa: {  	s3 =	sadd.s32 $0x2000, s4;
	s5 =	sor.u32 s6, s5;
	s7 =	sshrl.u32 s7, $0x3  }
0xb: {  	s31 =	sshrl.u32 s30, $0x1;
	s5 =	sshrl.u32 s5, $0x3;
	s29 =	sadd.s32 s7, s4  }
0xc: {  	s5 =	sadd.s32 s5, s4;
	s7 =	ssub.s32 s30, s31;
	s4 =	sadd.s32 $0x94400, s29  }
0xd: {  	s5 =	sadd.s32 $0x94C00, s5;
	s6 =	smax.u32 s7, $0x1;
	s7 =	simm.s32 $0x80  }
.LBB2_1:
0xe: {  	[tilespmem:s2], [sflag:$0x2] =	stream.strided.gather [hbm4b:s4+s7], $0x200, s8, s7, $0x38;
	[tilespmem:$0x4A00] =	vst v63  }
0xf: {  	_ =	swait.ge [sflag:s9], $0x200  }
0x10: {  	[sflag:s9] =	ssyncset.done $0x0  }
0x11: {  	[sflag:s9] =	ssyncadd.s32 $0xFFFFFE00  }
0x12: {  	v0 =	vld [tilespmem:s2+$0x0];
	_ =	sdelay $0x4  }
0x13: {  	v1 =	vshrl.u32 v0, $0xC  }
0x14: {  	v1 =	vmul.u32 $0x12000, v1  }
0x15: {  	v0 =	vand.u32 $0xFFF, v0  }
0x16: {  	v0 =	vor.u32 v0, v1  }
0x17: {  	s16 =	sand.u32 $0x1F0, s2;
	[tilespmem:s11+$0x0] =	vst v0;
	v1 =	vadd.s32 $0x8000, v0  }
0x18: {  	v2 =	vadd.s32 $0x7000, v0;
	[tilespmem:s16+$0x1200] =	vst v1  }
0x19: {  	v1 =	vadd.s32 $0x6000, v0;
	[tilespmem:s16+$0x1000] =	vst v2  }
0x1a: {  	v2 =	vadd.s32 $0x5000, v0;
	[tilespmem:s16+$0xE00] =	vst v1  }
0x1b: {  	v1 =	vadd.s32 $0x4000, v0;
	[tilespmem:s16+$0xC00] =	vst v2  }
0x1c: {  	v2 =	vadd.s32 $0x3000, v0;
	[tilespmem:s16+$0xA00] =	vst v1  }
0x1d: {  	v1 =	vadd.s32 $0x2000, v0;
	[tilespmem:s16+$0x800] =	vst v2  }
0x1e: {  	v2 =	vor.u32 $0x1000, v0;
	[tilespmem:s16+$0x600] =	vst v1  }
0x1f: {  	v1 =	vadd.s32 $0x9000, v0;
	[tilespmem:s16+$0x400] =	vst v2  }
0x20: {  	v2 =	vadd.s32 $0xA000, v0;
	[tilespmem:s16+$0x1400] =	vst v1  }
0x21: {  	v1 =	vadd.s32 $0xB000, v0;
	[tilespmem:s16+$0x1600] =	vst v2  }
0x22: {  	v2 =	vadd.s32 $0xC000, v0;
	[tilespmem:s16+$0x1800] =	vst v1  }
0x23: {  	v1 =	vadd.s32 $0xD000, v0;
	[tilespmem:s16+$0x1A00] =	vst v2  }
0x24: {  	v2 =	vadd.s32 $0xE000, v0;
	[tilespmem:s16+$0x1C00] =	vst v1  }
0x25: {  	v1 =	vadd.s32 $0xF000, v0;
	[tilespmem:s16+$0x1E00] =	vst v2  }
0x26: {  	v2 =	vadd.s32 $0x10000, v0;
	[tilespmem:s16+$0x2000] =	vst v1  }
0x27: {  	v0 =	vadd.s32 $0x11000, v0;
	[tilespmem:s16+$0x2200] =	vst v2  }
0x28: {  	s15 =	simm.s32 $0x10;
	[tilespmem:s16+$0x2400] =	vst v0  }
0x29: {  	s17 =	simm.s32 $0x20;
	s18 =	simm.s32 $0x10;
	s16 =	simm.s32 $0x200;
	v0 =	vld [tilespmem:s15+$0x0]  }
.LBB2_2:
0x2a: {  	p0 =	sne.s32 s17, $0x1F0;
	_ =	sdelay $0x3  }
0x2b: {  	v1 =	vshrl.u32 v0, $0xC  }
0x2c: {  	v1 =	vmul.u32 $0x12000, v1  }
0x2d: {  	v0 =	vand.u32 $0xFFF, v0  }
0x2e: {  	s16 =	sadd.s32 $0x10, s16;
	v0 =	vor.u32 v0, v1  }
0x2f: {  	s19 =	sand.u32 $0x1F0, s15;
	s15 =	smov.u32 s17;
	[tilespmem:s16+$0x0] =	vst v0;
	v1 =	vadd.s32 $0x6000, v0;
	v2 =	vadd.s32 $0x7000, v0;
	v3 =	vadd.s32 $0x8000, v0  }
0x30: {  	v4 =	vadd.s32 $0x3000, v0;
	v5 =	vadd.s32 $0x4000, v0;
	v6 =	vadd.s32 $0x5000, v0;
	[tilespmem:s19+$0x1200] =	vst v3  }
0x31: {  	v7 =	vadd.s32 $0x2000, v0;
	v3 =	vor.u32 $0x1000, v0;
	[tilespmem:s19+$0x1000] =	vst v2;
	v2 =	vadd.s32 $0x9000, v0  }
0x32: {  	v8 =	vadd.s32 $0xB000, v0;
	v9 =	vadd.s32 $0xC000, v0;
	[tilespmem:s19+$0xE00] =	vst v1;
	v1 =	vadd.s32 $0xA000, v0  }
0x33: {  	v10 =	vadd.s32 $0xE000, v0;
	v11 =	vadd.s32 $0xF000, v0;
	[tilespmem:s19+$0xC00] =	vst v6;
	v6 =	vadd.s32 $0xD000, v0  }
0x34: {  	[tilespmem:s19+$0xA00] =	vst v5;
	v5 =	vadd.s32 $0x10000, v0;
	v0 =	vadd.s32 $0x11000, v0  }
0x35: {  	[tilespmem:s19+$0x800] =	vst v4  }
0x36: {  	[tilespmem:s19+$0x600] =	vst v7  }
0x37: {  	[tilespmem:s19+$0x400] =	vst v3  }
0x38: {  	[tilespmem:s19+$0x1400] =	vst v2  }
0x39: {  	[tilespmem:s19+$0x1600] =	vst v1  }
0x3a: {  	[tilespmem:s19+$0x1800] =	vst v8  }
0x3b: {  	[tilespmem:s19+$0x1A00] =	vst v9  }
0x3c: {  	[tilespmem:s19+$0x1C00] =	vst v6  }
.Ltmp0:
0x3d: {  	[tilespmem:s19+$0x1E00] =	vst v10;
	(pc) =	sbr.rel @p0 .LBB2_2-.Ltmp0, $4  }
0x3e: {  	[tilespmem:s19+$0x2000] =	vst v11  }
0x3f: {  	[tilespmem:s19+$0x2200] =	vst v5  }
0x40: {  	s18 =	sadd.s32 $0x10, s18;
	[tilespmem:s19+$0x2400] =	vst v0  }
0x41: {  	s17 =	sadd.s32 $0x10, s17;
	v0 =	vld [tilespmem:s18+$0x0]  }
0x42: {  	_ =	sdelay $0x3  }
0x43: {  	v1 =	vshrl.u32 v0, $0xC  }
0x44: {  	v1 =	vmul.u32 $0x12000, v1  }
0x45: {  	v49 =	vand.u32 $0xFFF, v0  }
0x46: {  	s16 =	sadd.s32 $0x10, s16;
	v0 =	vor.u32 v49, v1  }
0x47: {  	s15 =	sand.u32 $0x1F0, s15;
	[tilespmem:s16+$0x0] =	vst v0;
	v1 =	vadd.s32 $0x8000, v0  }
0x48: {  	v2 =	vadd.s32 $0x7000, v0;
	[tilespmem:s15+$0x1200] =	vst v1  }
0x49: {  	v50 =	vadd.s32 $0x6000, v0;
	[tilespmem:s15+$0x1000] =	vst v2  }
0x4a: {  	v51 =	vadd.s32 $0x5000, v0;
	[tilespmem:s15+$0xE00] =	vst v50  }
0x4b: {  	v52 =	vadd.s32 $0x4000, v0;
	[tilespmem:s15+$0xC00] =	vst v51  }
0x4c: {  	v53 =	vadd.s32 $0x3000, v0;
	[tilespmem:s15+$0xA00] =	vst v52  }
0x4d: {  	v54 =	vadd.s32 $0x2000, v0;
	[tilespmem:s15+$0x800] =	vst v53  }
0x4e: {  	v55 =	vor.u32 $0x1000, v0;
	[tilespmem:s15+$0x600] =	vst v54  }
0x4f: {  	v56 =	vadd.s32 $0x9000, v0;
	[tilespmem:s15+$0x400] =	vst v55  }
0x50: {  	v57 =	vadd.s32 $0xA000, v0;
	[tilespmem:s15+$0x1400] =	vst v56  }
0x51: {  	v58 =	vadd.s32 $0xB000, v0;
	[tilespmem:s15+$0x1600] =	vst v57  }
0x52: {  	v59 =	vadd.s32 $0xC000, v0;
	[tilespmem:s15+$0x1800] =	vst v58  }
0x53: {  	v60 =	vadd.s32 $0xD000, v0;
	[tilespmem:s15+$0x1A00] =	vst v59  }
0x54: {  	v61 =	vadd.s32 $0xE000, v0;
	[tilespmem:s15+$0x1C00] =	vst v60  }
0x55: {  	v62 =	vadd.s32 $0xF000, v0;
	[tilespmem:s15+$0x1E00] =	vst v61  }
0x56: {  	v63 =	vadd.s32 $0x10000, v0;
	[tilespmem:s15+$0x2000] =	vst v62  }
0x57: {  	v0 =	vadd.s32 $0x11000, v0;
	[tilespmem:s15+$0x2200] =	vst v63  }
0x58: {  	[tilespmem:s15+$0x2400] =	vst v0  }
0x59: {  	[tilespmem:s12], [sflag:$0x1] =	stream.indirect.gather [hbm4b:s3+s10], $0x1, s11, s10, $0xb8;
	[tilespmem:$0x4A00] =	vst v63  }
0x5a: {  	s14 =	sadd.s32 $0x1, s14;
	_ =	swait.ge [sflag:s13], $0x2400  }
0x5b: {  	p0 =	sne.s32 s14, s6;
	[sflag:s13] =	ssyncset.done $0x0  }
.Ltmp1:
0x5c: {  	[sflag:s13] =	ssyncadd.s32 $0xFFFFDC00;
	(pc) =	sbr.rel @p0 .LBB2_1-.Ltmp1, $4  }
0x5d: {  	[hbm4b:s5+s7] =	stream.strided.scatter [tilespmem:s12], [sflag:$0x2], $0x2400, s8, s7, $0x38;
	[tilespmem:$0x4A00] =	vst v63  }
0x5e: {  	_ =	swait.ge [sflag:s9], $0x2400  }
0x5f: {  	[sflag:s9] =	ssyncset.done $0x0  }
0x60: {  	[sflag:s9] =	ssyncadd.s32 $0xFFFFDC00  }
0x61: {  	_ =	sfence.sel $0x180000  }
0x62: {  	[bflag:$0x0] =	sbarrier.arrive $0xFFFF  }
0x63: {  	p0 =	sne.s32 s1, $0x0;
	_ =	strace $0x90000047  }
0x64: {  	s0 =	sadd.s32 @!p0 $0x100000, s0;
	[bflag:$0x2] =	sbarrier.arrive $0xFFFF  }
0x65: {  	[sflag:s0] =	ssyncadd.tile.s32 @!p0 $0x1;
	_ =	shalt  }
.Lfunc_end2:
_tile_overlayer_lowered:
.L_overlay_start_2:
0x66: {  	(tag) =	ssettag $0x2  }
0x67: {  	s0 =	rddreg [dreg:$0x0];
	s2 =	stileid.u32  }
0x68: {  	s1 =	rddreg [dreg:$0x1];
	p0 =	sne.s32 s2, $0x0  }
0x69: {  	s3 =	rddreg [dreg:$0x2];
	[bflag:$0x3] =	sbarrier.arrive $0xFFFF;
	s2 =	simm.s32 @!p0 $0x1C02  }
0x6a: {  	[timem:s3], [sflag:s2] =	dma.local @!p0 [hbm:s0], s1  }
0x6b: {  	s0 =	simm.s32 @!p0 $0x2  }
0x6c: {  	_ =	swait.ge @!p0 [sflag:s0], s1  }
0x6d: {  	s1 =	ssub.s32 @!p0 $0x0, s1;
	[sflag:s0] =	ssyncset.done @!p0 $0x0  }
0x6e: {  	[sflag:s0] =	ssyncadd.s32 @!p0 s1  }
0x6f: {  	[bflag:$0x3] =	sbarrier.arrive $0xFFFF  }
0x70: {  	_ =	shalt  }

</sc_bundles>
